<compile_context>
chip_gen: v7x
topology: tpu7x:2x2x1
jax: 0.10.2.dev20260603
libtpu: 0.0.44.dev20260713+nightly
codegen_flags: <defaults>
</compile_context>

<pallas_src>
import functools

import jax
import jax.numpy as jnp
from jax import lax
from jax.experimental import pallas as pl
from jax.experimental.pallas import tpu as pltpu
from jax.experimental.pallas import tpu_sc as plsc

B = 16384
V = 1000000
D = 16
NCATE = 26
NCONT = 13

NC = 2
NS = 16
NW = NC * NS
SPW = B // NW
RPW = SPW * NCATE

DCHUNK = 256
DNCHUNK = RPW // DCHUNK
DGROUP = 13
DOUTER = DNCHUNK // DGROUP
DGROWS = DGROUP * DCHUNK

WCHUNK = 128
WNCHUNK = RPW // WCHUNK
WGROUP = 13
WOUTER = WNCHUNK // WGROUP
WGROWS = WGROUP * WCHUNK

_mesh = plsc.VectorSubcoreMesh(core_axis_name="c", subcore_axis_name="s")


@functools.partial(
    pl.kernel,
    mesh=_mesh,
    compiler_params=pltpu.CompilerParams(use_tc_tiling_on_sc=False),
    out_type=jax.ShapeDtypeStruct((B,), jnp.float32),
    name="sc_wide",
    scratch_types=[
        pltpu.VMEM((WNCHUNK, WCHUNK), jnp.int32),
        pltpu.VMEM((RPW,), jnp.float32),
        pltpu.VMEM((SPW,), jnp.float32),
        pltpu.SemaphoreType.DMA,
    ],
)
def _sc_wide(w_hbm, widx_hbm, wide_hbm, widx_v, wvals_v, wide_v, wsem):
    wid = lax.axis_index("s") * NC + lax.axis_index("c")
    pltpu.sync_copy(widx_hbm.at[wid], widx_v)

    def _fire_w(o):
        def body(j, _):
            c = o * WGROUP + j
            pltpu.async_copy(w_hbm.at[widx_v.at[c]],
                             wvals_v.at[pl.ds(c * WCHUNK, WCHUNK)], wsem)
            return 0
        lax.fori_loop(0, WGROUP, body, 0)

    def _drain_w(o):
        pltpu.make_async_copy(w_hbm.at[pl.ds(0, WGROWS)],
                              wvals_v.at[pl.ds(o * WGROWS, WGROWS)], wsem).wait()

    _fire_w(0)
    for o in range(1, WOUTER):
        _fire_w(o)
        _drain_w(o - 1)
    _drain_w(WOUTER - 1)

    def _reduce(sblk, _):
        def body(f, acc):
            return acc + wvals_v[pl.ds(f * SPW + sblk * 16, 16)]
        acc = lax.fori_loop(0, NCATE, body, jnp.zeros((16,), jnp.float32))
        wide_v[pl.ds(sblk * 16, 16)] = acc
        return 0
    lax.fori_loop(0, SPW // 16, _reduce, 0)
    pltpu.sync_copy(wide_v, wide_hbm.at[pl.ds(wid * SPW, SPW)])


@functools.partial(
    pl.kernel,
    mesh=_mesh,
    compiler_params=pltpu.CompilerParams(use_tc_tiling_on_sc=False),
    out_type=jax.ShapeDtypeStruct((B * NCATE, D), jnp.float32),
    name="sc_deep",
    scratch_types=[
        pltpu.VMEM((DNCHUNK, DCHUNK), jnp.int32),
        pltpu.VMEM((2, DGROWS, D), jnp.float32),
        pltpu.SemaphoreType.DMA,
        pltpu.SemaphoreType.DMA,
    ],
)
def _sc_deep(emb_hbm, idx_hbm, out_hbm, idx_v, rows_v, sem, osem):
    wid = lax.axis_index("s") * NC + lax.axis_index("c")
    pltpu.sync_copy(idx_hbm.at[wid], idx_v)

    def _fire_g(o):
        def fire(j, _):
            c = o * DGROUP + j
            pltpu.async_copy(emb_hbm.at[idx_v.at[c]],
                             rows_v.at[o % 2, pl.ds(j * DCHUNK, DCHUNK)], sem)
            return 0
        lax.fori_loop(0, DGROUP, fire, 0)

    def _drain_g(o):
        pltpu.make_async_copy(emb_hbm.at[pl.ds(0, DGROWS)],
                              rows_v.at[o % 2], sem).wait()

    def _out_g(o):
        pltpu.async_copy(rows_v.at[o % 2],
                         out_hbm.at[pl.ds(wid * RPW + o * DGROWS, DGROWS)], osem)

    def _outwait_g(o):
        pltpu.make_async_copy(rows_v.at[o % 2],
                              out_hbm.at[pl.ds(wid * RPW + o * DGROWS, DGROWS)],
                              osem).wait()

    _fire_g(0)
    for o in range(DOUTER):
        if o + 1 < DOUTER:
            if o >= 1:
                _outwait_g(o - 1)
            _fire_g(o + 1)
        _drain_g(o)
        _out_g(o)
    _outwait_g(DOUTER - 2)
    _outwait_g(DOUTER - 1)


TB = 2048


def _mlp_body(cont_ref, emb_ref, wide_ref, w1c_ref, w1e_ref, b1_ref,
              w2_ref, b2_ref, w3_ref, b3_ref, cw_ref, wb_ref, out_ref):
    cont = cont_ref[...]
    emb = emb_ref[...]
    h = jnp.dot(emb, w1e_ref[...], preferred_element_type=jnp.float32)
    h = h + jnp.dot(cont, w1c_ref[...], preferred_element_type=jnp.float32)
    h = jnp.maximum(h + b1_ref[...], 0.0)
    h = jnp.maximum(jnp.dot(h, w2_ref[...],
                            preferred_element_type=jnp.float32) + b2_ref[...], 0.0)
    y_deep = jnp.sum(h * w3_ref[...], axis=1, keepdims=True) + b3_ref[...]
    y_wide = wide_ref[...] + jnp.sum(cont * cw_ref[...], axis=1, keepdims=True)
    y_wide = y_wide + wb_ref[...]
    out_ref[...] = jax.nn.sigmoid(y_deep + y_wide)


def _mlp_call(cont_p, emb_g, wide_c, w1c, w1e, b1, w2, b2, w3, b3, cw, wb):
    grid = (B // TB,)
    full = lambda s: pl.BlockSpec(s, lambda i: (0, 0))
    return pl.pallas_call(
        _mlp_body,
        grid=grid,
        in_specs=[
            pl.BlockSpec((TB, 16), lambda i: (i, 0)),
            pl.BlockSpec((TB, NCATE * D), lambda i: (i, 0)),
            pl.BlockSpec((TB, 1), lambda i: (i, 0)),
            full((16, 32)),
            full((NCATE * D, 32)),
            full((1, 32)),
            full((32, 32)),
            full((1, 32)),
            full((1, 32)),
            full((1, 1)),
            full((1, 16)),
            full((1, 1)),
        ],
        out_specs=pl.BlockSpec((TB, 1), lambda i: (i, 0)),
        out_shape=jax.ShapeDtypeStruct((B, 1), jnp.float32),
    )(cont_p, emb_g, wide_c, w1c, w1e, b1, w2, b2, w3, b3, cw, wb)


def kernel(continuous_value, categorical_index, cross_feat_index, cate_weights,
           cont_W, cont_b, wide_bias, emb_table, W1, b1, W2, b2, W3, b3):
    idx = categorical_index.astype(jnp.int32)
    idx_sm = idx.reshape(NW, DNCHUNK, DCHUNK)
    idx_fm = idx.reshape(NW, SPW, NCATE).transpose(0, 2, 1).reshape(NW, WNCHUNK, WCHUNK)

    wide_c = _sc_wide(cate_weights.reshape(V), idx_fm)
    emb_g = _sc_deep(emb_table, idx_sm)

    cont_p = jnp.pad(continuous_value, ((0, 0), (0, 16 - NCONT)))
    cw = jnp.pad(cont_W, ((0, 0), (0, 16 - NCONT)))
    wb = (cont_b + wide_bias).reshape(1, 1)
    y = _mlp_call(
        cont_p,
        emb_g.reshape(B, NCATE * D),
        wide_c.reshape(B, 1),
        jnp.pad(W1[:, :NCONT].T, ((0, 16 - NCONT), (0, 0))),
        W1[:, NCONT:].T,
        b1.reshape(1, 32),
        W2.T,
        b2.reshape(1, 32),
        W3.reshape(1, 32),
        b3.reshape(1, 1),
        cw,
        wb,
    )
    return y

# --- scband reference (transcript-rebuilt; emitter-appended) ---
"""Pipeline reference for scband-wide-and-deep-62156766707847 (READ-ONLY COPY).

The authoritative reference and input builder live on the scoring server;
editing this copy changes nothing except your own understanding.
"""

import jax, jax.numpy as jnp
import numpy as np

B = 16384
V = 1000000
D = 16
NCATE = 26
NCONT = 13

def setup_inputs(seed: int = 0) -> dict:
    key = jax.random.key(seed)
    ks = jax.random.split(key, 12)
    d_in = NCONT + NCATE * D
    inp = {}
    inp["continuous_value"] = jax.random.normal(ks[0], (B, NCONT), dtype=jnp.float32)
    inp["categorical_index"] = jax.random.randint(ks[1], (B, NCATE), 0, V, dtype=jnp.int32).astype(jnp.int64) if False else jax.random.randint(ks[1], (B, NCATE), 0, V)
    inp["cross_feat_index"] = jax.random.randint(ks[2], (B,), 0, 1000)
    inp["cate_weights"] = jax.random.normal(ks[3], (V, 1), dtype=jnp.float32) * 0.01
    inp["cont_W"] = jax.random.normal(ks[4], (1, NCONT), dtype=jnp.float32) * (1.0 / np.sqrt(NCONT))
    inp["cont_b"] = jnp.zeros((1,), dtype=jnp.float32)
    inp["wide_bias"] = jax.random.normal(ks[5], (1,), dtype=jnp.float32)
    inp["emb_table"] = jax.random.normal(ks[6], (V, D), dtype=jnp.float32) * 0.01
    inp["W1"] = jax.random.normal(ks[7], (32, d_in), dtype=jnp.float32) * (1.0 / np.sqrt(d_in))
    inp["b1"] = jnp.zeros((32,), dtype=jnp.float32)
    inp["W2"] = jax.random.normal(ks[8], (32, 32), dtype=jnp.float32) * (1.0 / np.sqrt(32.0))
    inp["b2"] = jnp.zeros((32,), dtype=jnp.float32)
    inp["W3"] = jax.random.normal(ks[9], (1, 32), dtype=jnp.float32) * (1.0 / np.sqrt(32.0))
    inp["b3"] = jnp.zeros((1,), dtype=jnp.float32)
    return inp

def reference(continuous_value, categorical_index, cross_feat_index, cate_weights, cont_W, cont_b, wide_bias, emb_table, W1, b1, W2, b2, W3, b3):
    # Wide part: first-order weights for categorical features (embedding_dim=1 lookup)
    first_order_cate = jnp.take(cate_weights, categorical_index, axis=0)  # [B, NCATE, 1]
    first_order_cate = jnp.sum(first_order_cate, axis=1)  # [B, 1] (sum over fields)
    first_order_cont = continuous_value @ cont_W.T + cont_b  # [B, 1]
    y_wide = first_order_cate + first_order_cont + wide_bias  # [B, 1]
    # Deep part: embedding lookup for all categorical fields
    cate_emb_value = jnp.take(emb_table, categorical_index, axis=0)  # [B, NCATE, D]
    cate_emb_value = cate_emb_value.reshape((-1, NCATE * D))
    deep_in = jnp.concatenate([continuous_value, cate_emb_value], axis=1)
    h = jax.nn.relu(deep_in @ W1.T + b1)
    h = jax.nn.relu(h @ W2.T + b2)
    y_deep = h @ W3.T + b3  # [B, 1]
    y = y_deep + y_wide
    y = jax.nn.sigmoid(y)  # out_type='binary'
    return y

if __name__ == "__main__":
    import jax
    _d = setup_inputs()
    print(jax.jit(kernel)(*tuple(_d.values())))

</pallas_src>

<mosaic_0001>
#map = affine_map<(d0, d1) -> (0)>
#map1 = affine_map<(d0, d1) -> (0, 0, 0)>
module attributes {stable_mosaic.version = 14 : i64} {
  func.func @sc_wide(%arg0: i32, %arg1: i32, %arg2: memref<1000000xf32, #tpu.memory_space<hbm>>, %arg3: memref<32x104x128xi32, #tpu.memory_space<hbm>>, %arg4: memref<16384xf32, #tpu.memory_space<hbm>>, %arg5: memref<104x128xi32, #tpu.memory_space<vmem>>, %arg6: memref<13312xf32, #tpu.memory_space<vmem>>, %arg7: memref<512xf32, #tpu.memory_space<vmem>>, %arg8: memref<!tpu.dma_semaphore, #tpu.memory_space<semaphore_mem>>) attributes {dimension_semantics = [#tpu.dimension_semantics<core_parallel>, #tpu.dimension_semantics<subcore_parallel>], iteration_bounds = array<i64: 2, 16>, scalar_prefetch = 0 : i64, scratch_operands = 4 : i64, tpu.core_type = #tpu.core_type<sc_vector_subcore>, window_params = [{transform_indices = #map}, {transform_indices = #map1}, {transform_indices = #map}]} {
    %mul3A = arith.constant 2 : i32
    %mul3A_0 = arith.muli %arg1, %mul3A : i32
    %add3A = arith.addi %mul3A_0, %arg0 : i32
    "tpu.region"() ({
      %run_scoped3A = tpu.sem_alloc : memref<!tpu.dma_semaphore, #tpu.memory_space<semaphore_mem>>
      %dma_start3A = arith.constant 0 : i32
      %dma_start3A_128 = arith.constant 0 : i32
      %dma_start3A_129 = tpu.memref_slice %arg3[%add3A, %dma_start3A, %dma_start3A_128] : memref<32x104x128xi32, #tpu.memory_space<hbm>> -> memref<1x104x128xi32, #tpu.memory_space<hbm>>
      %dma_start3A_130 = tpu.memref_squeeze %dma_start3A_129 : memref<1x104x128xi32, #tpu.memory_space<hbm>> -> memref<104x128xi32, #tpu.memory_space<hbm>>
      %dma_start3A_131 = arith.constant 0 : i32
      %dma_start3A_132 = arith.constant 0 : i32
      %dma_start3A_133 = tpu.memref_slice %arg3[%add3A, %dma_start3A_131, %dma_start3A_132] : memref<32x104x128xi32, #tpu.memory_space<hbm>> -> memref<1x104x128xi32, #tpu.memory_space<hbm>>
      %dma_start3A_134 = tpu.memref_squeeze %dma_start3A_133 : memref<1x104x128xi32, #tpu.memory_space<hbm>> -> memref<104x128xi32, #tpu.memory_space<hbm>>
      tpu.enqueue_dma source(%dma_start3A_134 : memref<104x128xi32, #tpu.memory_space<hbm>>) target(%arg5 : memref<104x128xi32, #tpu.memory_space<vmem>>) target_semaphore(%run_scoped3A : memref<!tpu.dma_semaphore, #tpu.memory_space<semaphore_mem>>)
      %dma_wait3A_135 = arith.constant 0 : i32
      %dma_wait3A_136 = arith.constant 0 : i32
      %dma_wait3A_137 = tpu.memref_slice %arg3[%add3A, %dma_wait3A_135, %dma_wait3A_136] : memref<32x104x128xi32, #tpu.memory_space<hbm>> -> memref<1x104x128xi32, #tpu.memory_space<hbm>>
      %dma_wait3A_138 = tpu.memref_squeeze %dma_wait3A_137 : memref<1x104x128xi32, #tpu.memory_space<hbm>> -> memref<104x128xi32, #tpu.memory_space<hbm>>
      %dma_wait3A_139 = arith.constant 0 : i32
      %dma_wait3A_140 = arith.constant 0 : i32
      %dma_wait3A_141 = tpu.memref_slice %arg3[%add3A, %dma_wait3A_139, %dma_wait3A_140] : memref<32x104x128xi32, #tpu.memory_space<hbm>> -> memref<1x104x128xi32, #tpu.memory_space<hbm>>
      %dma_wait3A_142 = tpu.memref_squeeze %dma_wait3A_141 : memref<1x104x128xi32, #tpu.memory_space<hbm>> -> memref<104x128xi32, #tpu.memory_space<hbm>>
      tpu.wait_dma2 semaphore(%run_scoped3A : memref<!tpu.dma_semaphore, #tpu.memory_space<semaphore_mem>>) src(%dma_wait3A_142 : memref<104x128xi32, #tpu.memory_space<hbm>>) dst(%arg5 : memref<104x128xi32, #tpu.memory_space<vmem>>)
      tpu.yield
    }) : () -> ()
    %scan3A = arith.constant 0 : i32
    %scan3A_1 = arith.constant 0 : i32
    %scan3A_2 = arith.constant 13 : i32
    %scan3A_3 = arith.addi %scan3A_1, %scan3A_2 : i32
    %scan3A_4 = arith.constant 1 : i32
    %scan3A_5 = scf.for %scan3A_128 = %scan3A_1 to %scan3A_3 step %scan3A_4 iter_args(%scan3A_129 = %scan3A) -> (i32)  : i32 {
      %add3A_130 = arith.constant 0 : i32
      %add3A_131 = arith.addi %add3A_130, %scan3A_128 : i32
      %mul3A_132 = arith.constant 128 : i32
      %mul3A_133 = arith.muli %add3A_131, %mul3A_132 : i32
      %dma_start3A = tpu.memref_slice %arg6[%mul3A_133] : memref<13312xf32, #tpu.memory_space<vmem>> -> memref<128xf32, #tpu.memory_space<vmem>>
      %dma_start3A_134 = arith.constant 0 : i32
      %dma_start3A_135 = tpu.memref_slice %arg5[%add3A_131, %dma_start3A_134] : memref<104x128xi32, #tpu.memory_space<vmem>> -> memref<1x128xi32, #tpu.memory_space<vmem>>
      %dma_start3A_136 = tpu.memref_squeeze %dma_start3A_135 : memref<1x128xi32, #tpu.memory_space<vmem>> -> memref<128xi32, #tpu.memory_space<vmem>>
      %dma_start3A_137 = arith.constant 0 : i32
      %dma_start3A_138 = tpu.memref_slice %arg2[%dma_start3A_137] : memref<1000000xf32, #tpu.memory_space<hbm>> -> memref<1000000xf32, #tpu.memory_space<hbm>>
      tpu.enqueue_indirect_dma source(%dma_start3A_138 : memref<1000000xf32, #tpu.memory_space<hbm>>) target(%dma_start3A : memref<128xf32, #tpu.memory_space<vmem>>) offsets(%dma_start3A_136 : memref<128xi32, #tpu.memory_space<vmem>>) semaphore(%arg8 : memref<!tpu.dma_semaphore, #tpu.memory_space<semaphore_mem>>)
      %scan3A_139 = arith.constant 0 : i32
      scf.yield %scan3A_139 : i32
    }
    %scan3A_6 = arith.constant 13 : i32
    %scan3A_7 = arith.constant 0 : i32
    %scan3A_8 = arith.constant 0 : i32
    %scan3A_9 = arith.constant 13 : i32
    %scan3A_10 = arith.addi %scan3A_8, %scan3A_9 : i32
    %scan3A_11 = arith.constant 1 : i32
    %scan3A_12 = scf.for %scan3A_128 = %scan3A_8 to %scan3A_10 step %scan3A_11 iter_args(%scan3A_129 = %scan3A_7) -> (i32)  : i32 {
      %add3A_130 = arith.constant 13 : i32
      %add3A_131 = arith.addi %add3A_130, %scan3A_128 : i32
      %mul3A_132 = arith.constant 128 : i32
      %mul3A_133 = arith.muli %add3A_131, %mul3A_132 : i32
      %dma_start3A = tpu.memref_slice %arg6[%mul3A_133] : memref<13312xf32, #tpu.memory_space<vmem>> -> memref<128xf32, #tpu.memory_space<vmem>>
      %dma_start3A_134 = arith.constant 0 : i32
      %dma_start3A_135 = tpu.memref_slice %arg5[%add3A_131, %dma_start3A_134] : memref<104x128xi32, #tpu.memory_space<vmem>> -> memref<1x128xi32, #tpu.memory_space<vmem>>
      %dma_start3A_136 = tpu.memref_squeeze %dma_start3A_135 : memref<1x128xi32, #tpu.memory_space<vmem>> -> memref<128xi32, #tpu.memory_space<vmem>>
      %dma_start3A_137 = arith.constant 0 : i32
      %dma_start3A_138 = tpu.memref_slice %arg2[%dma_start3A_137] : memref<1000000xf32, #tpu.memory_space<hbm>> -> memref<1000000xf32, #tpu.memory_space<hbm>>
      tpu.enqueue_indirect_dma source(%dma_start3A_138 : memref<1000000xf32, #tpu.memory_space<hbm>>) target(%dma_start3A : memref<128xf32, #tpu.memory_space<vmem>>) offsets(%dma_start3A_136 : memref<128xi32, #tpu.memory_space<vmem>>) semaphore(%arg8 : memref<!tpu.dma_semaphore, #tpu.memory_space<semaphore_mem>>)
      %scan3A_139 = arith.constant 0 : i32
      scf.yield %scan3A_139 : i32
    }
    %scan3A_13 = arith.constant 13 : i32
    %dma_wait3A = arith.constant 0 : i32
    %dma_wait3A_14 = tpu.memref_slice %arg6[%dma_wait3A] : memref<13312xf32, #tpu.memory_space<vmem>> -> memref<1664xf32, #tpu.memory_space<vmem>>
    %dma_wait3A_15 = arith.constant 0 : i32
    %dma_wait3A_16 = tpu.memref_slice %arg2[%dma_wait3A_15] : memref<1000000xf32, #tpu.memory_space<hbm>> -> memref<1664xf32, #tpu.memory_space<hbm>>
    %dma_wait3A_17 = arith.constant 0 : i32
    %dma_wait3A_18 = tpu.memref_slice %arg6[%dma_wait3A_17] : memref<13312xf32, #tpu.memory_space<vmem>> -> memref<1664xf32, #tpu.memory_space<vmem>>
    %dma_wait3A_19 = arith.constant 0 : i32
    %dma_wait3A_20 = tpu.memref_slice %arg2[%dma_wait3A_19] : memref<1000000xf32, #tpu.memory_space<hbm>> -> memref<1664xf32, #tpu.memory_space<hbm>>
    tpu.wait_dma2 semaphore(%arg8 : memref<!tpu.dma_semaphore, #tpu.memory_space<semaphore_mem>>) src(%dma_wait3A_20 : memref<1664xf32, #tpu.memory_space<hbm>>) dst(%dma_wait3A_18 : memref<1664xf32, #tpu.memory_space<vmem>>)
    %scan3A_21 = arith.constant 0 : i32
    %scan3A_22 = arith.constant 0 : i32
    %scan3A_23 = arith.constant 13 : i32
    %scan3A_24 = arith.addi %scan3A_22, %scan3A_23 : i32
    %scan3A_25 = arith.constant 1 : i32
    %scan3A_26 = scf.for %scan3A_128 = %scan3A_22 to %scan3A_24 step %scan3A_25 iter_args(%scan3A_129 = %scan3A_21) -> (i32)  : i32 {
      %add3A_130 = arith.constant 26 : i32
      %add3A_131 = arith.addi %add3A_130, %scan3A_128 : i32
      %mul3A_132 = arith.constant 128 : i32
      %mul3A_133 = arith.muli %add3A_131, %mul3A_132 : i32
      %dma_start3A = tpu.memref_slice %arg6[%mul3A_133] : memref<13312xf32, #tpu.memory_space<vmem>> -> memref<128xf32, #tpu.memory_space<vmem>>
      %dma_start3A_134 = arith.constant 0 : i32
      %dma_start3A_135 = tpu.memref_slice %arg5[%add3A_131, %dma_start3A_134] : memref<104x128xi32, #tpu.memory_space<vmem>> -> memref<1x128xi32, #tpu.memory_space<vmem>>
      %dma_start3A_136 = tpu.memref_squeeze %dma_start3A_135 : memref<1x128xi32, #tpu.memory_space<vmem>> -> memref<128xi32, #tpu.memory_space<vmem>>
      %dma_start3A_137 = arith.constant 0 : i32
      %dma_start3A_138 = tpu.memref_slice %arg2[%dma_start3A_137] : memref<1000000xf32, #tpu.memory_space<hbm>> -> memref<1000000xf32, #tpu.memory_space<hbm>>
      tpu.enqueue_indirect_dma source(%dma_start3A_138 : memref<1000000xf32, #tpu.memory_space<hbm>>) target(%dma_start3A : memref<128xf32, #tpu.memory_space<vmem>>) offsets(%dma_start3A_136 : memref<128xi32, #tpu.memory_space<vmem>>) semaphore(%arg8 : memref<!tpu.dma_semaphore, #tpu.memory_space<semaphore_mem>>)
      %scan3A_139 = arith.constant 0 : i32
      scf.yield %scan3A_139 : i32
    }
    %scan3A_27 = arith.constant 13 : i32
    %dma_wait3A_28 = arith.constant 1664 : i32
    %dma_wait3A_29 = tpu.memref_slice %arg6[%dma_wait3A_28] : memref<13312xf32, #tpu.memory_space<vmem>> -> memref<1664xf32, #tpu.memory_space<vmem>>
    %dma_wait3A_30 = arith.constant 0 : i32
    %dma_wait3A_31 = tpu.memref_slice %arg2[%dma_wait3A_30] : memref<1000000xf32, #tpu.memory_space<hbm>> -> memref<1664xf32, #tpu.memory_space<hbm>>
    %dma_wait3A_32 = arith.constant 1664 : i32
    %dma_wait3A_33 = tpu.memref_slice %arg6[%dma_wait3A_32] : memref<13312xf32, #tpu.memory_space<vmem>> -> memref<1664xf32, #tpu.memory_space<vmem>>
    %dma_wait3A_34 = arith.constant 0 : i32
    %dma_wait3A_35 = tpu.memref_slice %arg2[%dma_wait3A_34] : memref<1000000xf32, #tpu.memory_space<hbm>> -> memref<1664xf32, #tpu.memory_space<hbm>>
    tpu.wait_dma2 semaphore(%arg8 : memref<!tpu.dma_semaphore, #tpu.memory_space<semaphore_mem>>) src(%dma_wait3A_35 : memref<1664xf32, #tpu.memory_space<hbm>>) dst(%dma_wait3A_33 : memref<1664xf32, #tpu.memory_space<vmem>>)
    %scan3A_36 = arith.constant 0 : i32
    %scan3A_37 = arith.constant 0 : i32
    %scan3A_38 = arith.constant 13 : i32
    %scan3A_39 = arith.addi %scan3A_37, %scan3A_38 : i32
    %scan3A_40 = arith.constant 1 : i32
    %scan3A_41 = scf.for %scan3A_128 = %scan3A_37 to %scan3A_39 step %scan3A_40 iter_args(%scan3A_129 = %scan3A_36) -> (i32)  : i32 {
      %add3A_130 = arith.constant 39 : i32
      %add3A_131 = arith.addi %add3A_130, %scan3A_128 : i32
      %mul3A_132 = arith.constant 128 : i32
      %mul3A_133 = arith.muli %add3A_131, %mul3A_132 : i32
      %dma_start3A = tpu.memref_slice %arg6[%mul3A_133] : memref<13312xf32, #tpu.memory_space<vmem>> -> memref<128xf32, #tpu.memory_space<vmem>>
      %dma_start3A_134 = arith.constant 0 : i32
      %dma_start3A_135 = tpu.memref_slice %arg5[%add3A_131, %dma_start3A_134] : memref<104x128xi32, #tpu.memory_space<vmem>> -> memref<1x128xi32, #tpu.memory_space<vmem>>
      %dma_start3A_136 = tpu.memref_squeeze %dma_start3A_135 : memref<1x128xi32, #tpu.memory_space<vmem>> -> memref<128xi32, #tpu.memory_space<vmem>>
      %dma_start3A_137 = arith.constant 0 : i32
      %dma_start3A_138 = tpu.memref_slice %arg2[%dma_start3A_137] : memref<1000000xf32, #tpu.memory_space<hbm>> -> memref<1000000xf32, #tpu.memory_space<hbm>>
      tpu.enqueue_indirect_dma source(%dma_start3A_138 : memref<1000000xf32, #tpu.memory_space<hbm>>) target(%dma_start3A : memref<128xf32, #tpu.memory_space<vmem>>) offsets(%dma_start3A_136 : memref<128xi32, #tpu.memory_space<vmem>>) semaphore(%arg8 : memref<!tpu.dma_semaphore, #tpu.memory_space<semaphore_mem>>)
      %scan3A_139 = arith.constant 0 : i32
      scf.yield %scan3A_139 : i32
    }
    %scan3A_42 = arith.constant 13 : i32
    %dma_wait3A_43 = arith.constant 3328 : i32
    %dma_wait3A_44 = tpu.memref_slice %arg6[%dma_wait3A_43] : memref<13312xf32, #tpu.memory_space<vmem>> -> memref<1664xf32, #tpu.memory_space<vmem>>
    %dma_wait3A_45 = arith.constant 0 : i32
    %dma_wait3A_46 = tpu.memref_slice %arg2[%dma_wait3A_45] : memref<1000000xf32, #tpu.memory_space<hbm>> -> memref<1664xf32, #tpu.memory_space<hbm>>
    %dma_wait3A_47 = arith.constant 3328 : i32
    %dma_wait3A_48 = tpu.memref_slice %arg6[%dma_wait3A_47] : memref<13312xf32, #tpu.memory_space<vmem>> -> memref<1664xf32, #tpu.memory_space<vmem>>
    %dma_wait3A_49 = arith.constant 0 : i32
    %dma_wait3A_50 = tpu.memref_slice %arg2[%dma_wait3A_49] : memref<1000000xf32, #tpu.memory_space<hbm>> -> memref<1664xf32, #tpu.memory_space<hbm>>
    tpu.wait_dma2 semaphore(%arg8 : memref<!tpu.dma_semaphore, #tpu.memory_space<semaphore_mem>>) src(%dma_wait3A_50 : memref<1664xf32, #tpu.memory_space<hbm>>) dst(%dma_wait3A_48 : memref<1664xf32, #tpu.memory_space<vmem>>)
    %scan3A_51 = arith.constant 0 : i32
    %scan3A_52 = arith.constant 0 : i32
    %scan3A_53 = arith.constant 13 : i32
    %scan3A_54 = arith.addi %scan3A_52, %scan3A_53 : i32
    %scan3A_55 = arith.constant 1 : i32
    %scan3A_56 = scf.for %scan3A_128 = %scan3A_52 to %scan3A_54 step %scan3A_55 iter_args(%scan3A_129 = %scan3A_51) -> (i32)  : i32 {
      %add3A_130 = arith.constant 52 : i32
      %add3A_131 = arith.addi %add3A_130, %scan3A_128 : i32
      %mul3A_132 = arith.constant 128 : i32
      %mul3A_133 = arith.muli %add3A_131, %mul3A_132 : i32
      %dma_start3A = tpu.memref_slice %arg6[%mul3A_133] : memref<13312xf32, #tpu.memory_space<vmem>> -> memref<128xf32, #tpu.memory_space<vmem>>
      %dma_start3A_134 = arith.constant 0 : i32
      %dma_start3A_135 = tpu.memref_slice %arg5[%add3A_131, %dma_start3A_134] : memref<104x128xi32, #tpu.memory_space<vmem>> -> memref<1x128xi32, #tpu.memory_space<vmem>>
      %dma_start3A_136 = tpu.memref_squeeze %dma_start3A_135 : memref<1x128xi32, #tpu.memory_space<vmem>> -> memref<128xi32, #tpu.memory_space<vmem>>
      %dma_start3A_137 = arith.constant 0 : i32
      %dma_start3A_138 = tpu.memref_slice %arg2[%dma_start3A_137] : memref<1000000xf32, #tpu.memory_space<hbm>> -> memref<1000000xf32, #tpu.memory_space<hbm>>
      tpu.enqueue_indirect_dma source(%dma_start3A_138 : memref<1000000xf32, #tpu.memory_space<hbm>>) target(%dma_start3A : memref<128xf32, #tpu.memory_space<vmem>>) offsets(%dma_start3A_136 : memref<128xi32, #tpu.memory_space<vmem>>) semaphore(%arg8 : memref<!tpu.dma_semaphore, #tpu.memory_space<semaphore_mem>>)
      %scan3A_139 = arith.constant 0 : i32
      scf.yield %scan3A_139 : i32
    }
    %scan3A_57 = arith.constant 13 : i32
    %dma_wait3A_58 = arith.constant 4992 : i32
    %dma_wait3A_59 = tpu.memref_slice %arg6[%dma_wait3A_58] : memref<13312xf32, #tpu.memory_space<vmem>> -> memref<1664xf32, #tpu.memory_space<vmem>>
    %dma_wait3A_60 = arith.constant 0 : i32
    %dma_wait3A_61 = tpu.memref_slice %arg2[%dma_wait3A_60] : memref<1000000xf32, #tpu.memory_space<hbm>> -> memref<1664xf32, #tpu.memory_space<hbm>>
    %dma_wait3A_62 = arith.constant 4992 : i32
    %dma_wait3A_63 = tpu.memref_slice %arg6[%dma_wait3A_62] : memref<13312xf32, #tpu.memory_space<vmem>> -> memref<1664xf32, #tpu.memory_space<vmem>>
    %dma_wait3A_64 = arith.constant 0 : i32
    %dma_wait3A_65 = tpu.memref_slice %arg2[%dma_wait3A_64] : memref<1000000xf32, #tpu.memory_space<hbm>> -> memref<1664xf32, #tpu.memory_space<hbm>>
    tpu.wait_dma2 semaphore(%arg8 : memref<!tpu.dma_semaphore, #tpu.memory_space<semaphore_mem>>) src(%dma_wait3A_65 : memref<1664xf32, #tpu.memory_space<hbm>>) dst(%dma_wait3A_63 : memref<1664xf32, #tpu.memory_space<vmem>>)
    %scan3A_66 = arith.constant 0 : i32
    %scan3A_67 = arith.constant 0 : i32
    %scan3A_68 = arith.constant 13 : i32
    %scan3A_69 = arith.addi %scan3A_67, %scan3A_68 : i32
    %scan3A_70 = arith.constant 1 : i32
    %scan3A_71 = scf.for %scan3A_128 = %scan3A_67 to %scan3A_69 step %scan3A_70 iter_args(%scan3A_129 = %scan3A_66) -> (i32)  : i32 {
      %add3A_130 = arith.constant 65 : i32
      %add3A_131 = arith.addi %add3A_130, %scan3A_128 : i32
      %mul3A_132 = arith.constant 128 : i32
      %mul3A_133 = arith.muli %add3A_131, %mul3A_132 : i32
      %dma_start3A = tpu.memref_slice %arg6[%mul3A_133] : memref<13312xf32, #tpu.memory_space<vmem>> -> memref<128xf32, #tpu.memory_space<vmem>>
      %dma_start3A_134 = arith.constant 0 : i32
      %dma_start3A_135 = tpu.memref_slice %arg5[%add3A_131, %dma_start3A_134] : memref<104x128xi32, #tpu.memory_space<vmem>> -> memref<1x128xi32, #tpu.memory_space<vmem>>
      %dma_start3A_136 = tpu.memref_squeeze %dma_start3A_135 : memref<1x128xi32, #tpu.memory_space<vmem>> -> memref<128xi32, #tpu.memory_space<vmem>>
      %dma_start3A_137 = arith.constant 0 : i32
      %dma_start3A_138 = tpu.memref_slice %arg2[%dma_start3A_137] : memref<1000000xf32, #tpu.memory_space<hbm>> -> memref<1000000xf32, #tpu.memory_space<hbm>>
      tpu.enqueue_indirect_dma source(%dma_start3A_138 : memref<1000000xf32, #tpu.memory_space<hbm>>) target(%dma_start3A : memref<128xf32, #tpu.memory_space<vmem>>) offsets(%dma_start3A_136 : memref<128xi32, #tpu.memory_space<vmem>>) semaphore(%arg8 : memref<!tpu.dma_semaphore, #tpu.memory_space<semaphore_mem>>)
      %scan3A_139 = arith.constant 0 : i32
      scf.yield %scan3A_139 : i32
    }
    %scan3A_72 = arith.constant 13 : i32
    %dma_wait3A_73 = arith.constant 6656 : i32
    %dma_wait3A_74 = tpu.memref_slice %arg6[%dma_wait3A_73] : memref<13312xf32, #tpu.memory_space<vmem>> -> memref<1664xf32, #tpu.memory_space<vmem>>
    %dma_wait3A_75 = arith.constant 0 : i32
    %dma_wait3A_76 = tpu.memref_slice %arg2[%dma_wait3A_75] : memref<1000000xf32, #tpu.memory_space<hbm>> -> memref<1664xf32, #tpu.memory_space<hbm>>
    %dma_wait3A_77 = arith.constant 6656 : i32
    %dma_wait3A_78 = tpu.memref_slice %arg6[%dma_wait3A_77] : memref<13312xf32, #tpu.memory_space<vmem>> -> memref<1664xf32, #tpu.memory_space<vmem>>
    %dma_wait3A_79 = arith.constant 0 : i32
    %dma_wait3A_80 = tpu.memref_slice %arg2[%dma_wait3A_79] : memref<1000000xf32, #tpu.memory_space<hbm>> -> memref<1664xf32, #tpu.memory_space<hbm>>
    tpu.wait_dma2 semaphore(%arg8 : memref<!tpu.dma_semaphore, #tpu.memory_space<semaphore_mem>>) src(%dma_wait3A_80 : memref<1664xf32, #tpu.memory_space<hbm>>) dst(%dma_wait3A_78 : memref<1664xf32, #tpu.memory_space<vmem>>)
    %scan3A_81 = arith.constant 0 : i32
    %scan3A_82 = arith.constant 0 : i32
    %scan3A_83 = arith.constant 13 : i32
    %scan3A_84 = arith.addi %scan3A_82, %scan3A_83 : i32
    %scan3A_85 = arith.constant 1 : i32
    %scan3A_86 = scf.for %scan3A_128 = %scan3A_82 to %scan3A_84 step %scan3A_85 iter_args(%scan3A_129 = %scan3A_81) -> (i32)  : i32 {
      %add3A_130 = arith.constant 78 : i32
      %add3A_131 = arith.addi %add3A_130, %scan3A_128 : i32
      %mul3A_132 = arith.constant 128 : i32
      %mul3A_133 = arith.muli %add3A_131, %mul3A_132 : i32
      %dma_start3A = tpu.memref_slice %arg6[%mul3A_133] : memref<13312xf32, #tpu.memory_space<vmem>> -> memref<128xf32, #tpu.memory_space<vmem>>
      %dma_start3A_134 = arith.constant 0 : i32
      %dma_start3A_135 = tpu.memref_slice %arg5[%add3A_131, %dma_start3A_134] : memref<104x128xi32, #tpu.memory_space<vmem>> -> memref<1x128xi32, #tpu.memory_space<vmem>>
      %dma_start3A_136 = tpu.memref_squeeze %dma_start3A_135 : memref<1x128xi32, #tpu.memory_space<vmem>> -> memref<128xi32, #tpu.memory_space<vmem>>
      %dma_start3A_137 = arith.constant 0 : i32
      %dma_start3A_138 = tpu.memref_slice %arg2[%dma_start3A_137] : memref<1000000xf32, #tpu.memory_space<hbm>> -> memref<1000000xf32, #tpu.memory_space<hbm>>
      tpu.enqueue_indirect_dma source(%dma_start3A_138 : memref<1000000xf32, #tpu.memory_space<hbm>>) target(%dma_start3A : memref<128xf32, #tpu.memory_space<vmem>>) offsets(%dma_start3A_136 : memref<128xi32, #tpu.memory_space<vmem>>) semaphore(%arg8 : memref<!tpu.dma_semaphore, #tpu.memory_space<semaphore_mem>>)
      %scan3A_139 = arith.constant 0 : i32
      scf.yield %scan3A_139 : i32
    }
    %scan3A_87 = arith.constant 13 : i32
    %dma_wait3A_88 = arith.constant 8320 : i32
    %dma_wait3A_89 = tpu.memref_slice %arg6[%dma_wait3A_88] : memref<13312xf32, #tpu.memory_space<vmem>> -> memref<1664xf32, #tpu.memory_space<vmem>>
    %dma_wait3A_90 = arith.constant 0 : i32
    %dma_wait3A_91 = tpu.memref_slice %arg2[%dma_wait3A_90] : memref<1000000xf32, #tpu.memory_space<hbm>> -> memref<1664xf32, #tpu.memory_space<hbm>>
    %dma_wait3A_92 = arith.constant 8320 : i32
    %dma_wait3A_93 = tpu.memref_slice %arg6[%dma_wait3A_92] : memref<13312xf32, #tpu.memory_space<vmem>> -> memref<1664xf32, #tpu.memory_space<vmem>>
    %dma_wait3A_94 = arith.constant 0 : i32
    %dma_wait3A_95 = tpu.memref_slice %arg2[%dma_wait3A_94] : memref<1000000xf32, #tpu.memory_space<hbm>> -> memref<1664xf32, #tpu.memory_space<hbm>>
    tpu.wait_dma2 semaphore(%arg8 : memref<!tpu.dma_semaphore, #tpu.memory_space<semaphore_mem>>) src(%dma_wait3A_95 : memref<1664xf32, #tpu.memory_space<hbm>>) dst(%dma_wait3A_93 : memref<1664xf32, #tpu.memory_space<vmem>>)
    %scan3A_96 = arith.constant 0 : i32
    %scan3A_97 = arith.constant 0 : i32
    %scan3A_98 = arith.constant 13 : i32
    %scan3A_99 = arith.addi %scan3A_97, %scan3A_98 : i32
    %scan3A_100 = arith.constant 1 : i32
    %scan3A_101 = scf.for %scan3A_128 = %scan3A_97 to %scan3A_99 step %scan3A_100 iter_args(%scan3A_129 = %scan3A_96) -> (i32)  : i32 {
      %add3A_130 = arith.constant 91 : i32
      %add3A_131 = arith.addi %add3A_130, %scan3A_128 : i32
      %mul3A_132 = arith.constant 128 : i32
      %mul3A_133 = arith.muli %add3A_131, %mul3A_132 : i32
      %dma_start3A = tpu.memref_slice %arg6[%mul3A_133] : memref<13312xf32, #tpu.memory_space<vmem>> -> memref<128xf32, #tpu.memory_space<vmem>>
      %dma_start3A_134 = arith.constant 0 : i32
      %dma_start3A_135 = tpu.memref_slice %arg5[%add3A_131, %dma_start3A_134] : memref<104x128xi32, #tpu.memory_space<vmem>> -> memref<1x128xi32, #tpu.memory_space<vmem>>
      %dma_start3A_136 = tpu.memref_squeeze %dma_start3A_135 : memref<1x128xi32, #tpu.memory_space<vmem>> -> memref<128xi32, #tpu.memory_space<vmem>>
      %dma_start3A_137 = arith.constant 0 : i32
      %dma_start3A_138 = tpu.memref_slice %arg2[%dma_start3A_137] : memref<1000000xf32, #tpu.memory_space<hbm>> -> memref<1000000xf32, #tpu.memory_space<hbm>>
      tpu.enqueue_indirect_dma source(%dma_start3A_138 : memref<1000000xf32, #tpu.memory_space<hbm>>) target(%dma_start3A : memref<128xf32, #tpu.memory_space<vmem>>) offsets(%dma_start3A_136 : memref<128xi32, #tpu.memory_space<vmem>>) semaphore(%arg8 : memref<!tpu.dma_semaphore, #tpu.memory_space<semaphore_mem>>)
      %scan3A_139 = arith.constant 0 : i32
      scf.yield %scan3A_139 : i32
    }
    %scan3A_102 = arith.constant 13 : i32
    %dma_wait3A_103 = arith.constant 9984 : i32
    %dma_wait3A_104 = tpu.memref_slice %arg6[%dma_wait3A_103] : memref<13312xf32, #tpu.memory_space<vmem>> -> memref<1664xf32, #tpu.memory_space<vmem>>
    %dma_wait3A_105 = arith.constant 0 : i32
    %dma_wait3A_106 = tpu.memref_slice %arg2[%dma_wait3A_105] : memref<1000000xf32, #tpu.memory_space<hbm>> -> memref<1664xf32, #tpu.memory_space<hbm>>
    %dma_wait3A_107 = arith.constant 9984 : i32
    %dma_wait3A_108 = tpu.memref_slice %arg6[%dma_wait3A_107] : memref<13312xf32, #tpu.memory_space<vmem>> -> memref<1664xf32, #tpu.memory_space<vmem>>
    %dma_wait3A_109 = arith.constant 0 : i32
    %dma_wait3A_110 = tpu.memref_slice %arg2[%dma_wait3A_109] : memref<1000000xf32, #tpu.memory_space<hbm>> -> memref<1664xf32, #tpu.memory_space<hbm>>
    tpu.wait_dma2 semaphore(%arg8 : memref<!tpu.dma_semaphore, #tpu.memory_space<semaphore_mem>>) src(%dma_wait3A_110 : memref<1664xf32, #tpu.memory_space<hbm>>) dst(%dma_wait3A_108 : memref<1664xf32, #tpu.memory_space<vmem>>)
    %dma_wait3A_111 = arith.constant 11648 : i32
    %dma_wait3A_112 = tpu.memref_slice %arg6[%dma_wait3A_111] : memref<13312xf32, #tpu.memory_space<vmem>> -> memref<1664xf32, #tpu.memory_space<vmem>>
    %dma_wait3A_113 = arith.constant 0 : i32
    %dma_wait3A_114 = tpu.memref_slice %arg2[%dma_wait3A_113] : memref<1000000xf32, #tpu.memory_space<hbm>> -> memref<1664xf32, #tpu.memory_space<hbm>>
    %dma_wait3A_115 = arith.constant 11648 : i32
    %dma_wait3A_116 = tpu.memref_slice %arg6[%dma_wait3A_115] : memref<13312xf32, #tpu.memory_space<vmem>> -> memref<1664xf32, #tpu.memory_space<vmem>>
    %dma_wait3A_117 = arith.constant 0 : i32
    %dma_wait3A_118 = tpu.memref_slice %arg2[%dma_wait3A_117] : memref<1000000xf32, #tpu.memory_space<hbm>> -> memref<1664xf32, #tpu.memory_space<hbm>>
    tpu.wait_dma2 semaphore(%arg8 : memref<!tpu.dma_semaphore, #tpu.memory_space<semaphore_mem>>) src(%dma_wait3A_118 : memref<1664xf32, #tpu.memory_space<hbm>>) dst(%dma_wait3A_116 : memref<1664xf32, #tpu.memory_space<vmem>>)
    %scan3A_119 = arith.constant 0 : i32
    %scan3A_120 = arith.constant 0 : i32
    %scan3A_121 = arith.constant 32 : i32
    %scan3A_122 = arith.addi %scan3A_120, %scan3A_121 : i32
    %scan3A_123 = arith.constant 1 : i32
    %scan3A_124 = scf.for %scan3A_128 = %scan3A_120 to %scan3A_122 step %scan3A_123 iter_args(%scan3A_129 = %scan3A_119) -> (i32)  : i32 {
      %broadcast_in_dim3A = arith.constant 0.000000e+00 : f32
      %broadcast_in_dim3A_130 = vector.broadcast %broadcast_in_dim3A : f32 to vector<16xf32>
      %scan3A_131 = arith.constant 0 : i32
      %scan3A_132 = arith.constant 26 : i32
      %scan3A_133 = arith.addi %scan3A_131, %scan3A_132 : i32
      %scan3A_134 = arith.constant 1 : i32
      %scan3A_135 = scf.for %scan3A_143 = %scan3A_131 to %scan3A_133 step %scan3A_134 iter_args(%scan3A_144 = %broadcast_in_dim3A_130) -> (vector<16xf32>)  : i32 {
        %mul3A_145 = arith.constant 512 : i32
        %mul3A_146 = arith.muli %scan3A_143, %mul3A_145 : i32
        %mul3A_147 = arith.constant 16 : i32
        %mul3A_148 = arith.muli %scan3A_128, %mul3A_147 : i32
        %add3A_149 = arith.addi %mul3A_146, %mul3A_148 : i32
        %get3A = arith.index_cast %add3A_149 : i32 to index
        %get3A_150 = tpu.vector_load %arg6[%get3A] {strides = array<i32>} : memref<13312xf32, #tpu.memory_space<vmem>>, vector<16xf32>,
        %get3A_151 = vector.shape_cast %get3A_150 : vector<16xf32> to vector<16xf32>
        %add3A_152 = arith.addf %scan3A_144, %get3A_151 : vector<16xf32>
        scf.yield %add3A_152 : vector<16xf32>
      }
      %scan3A_136 = arith.constant 26 : i32
      %mul3A_137 = arith.constant 16 : i32
      %mul3A_138 = arith.muli %scan3A_128, %mul3A_137 : i32
      %swap3A = arith.index_cast %mul3A_138 : i32 to index
      %swap3A_139 = tpu.vector_load %arg7[%swap3A] {strides = array<i32>} : memref<512xf32, #tpu.memory_space<vmem>>, vector<16xf32>,
      %swap3A_140 = vector.shape_cast %swap3A_139 : vector<16xf32> to vector<16xf32>
      %swap3A_141 = vector.shape_cast %scan3A_135 : vector<16xf32> to vector<16xf32>
      tpu.vector_store %arg7[%swap3A], %swap3A_141 {strides = array<i32>} : memref<512xf32, #tpu.memory_space<vmem>>, vector<16xf32>,
      %scan3A_142 = arith.constant 0 : i32
      scf.yield %scan3A_142 : i32
    }
    %scan3A_125 = arith.constant 32 : i32
    %mul3A_126 = arith.constant 512 : i32
    %mul3A_127 = arith.muli %add3A, %mul3A_126 : i32
    "tpu.region"() ({
      %run_scoped3A = tpu.sem_alloc : memref<!tpu.dma_semaphore, #tpu.memory_space<semaphore_mem>>
      %dma_start3A = tpu.memref_slice %arg4[%mul3A_127] : memref<16384xf32, #tpu.memory_space<hbm>> -> memref<512xf32, #tpu.memory_space<hbm>>
      %dma_start3A_128 = tpu.memref_slice %arg4[%mul3A_127] : memref<16384xf32, #tpu.memory_space<hbm>> -> memref<512xf32, #tpu.memory_space<hbm>>
      tpu.enqueue_dma source(%arg7 : memref<512xf32, #tpu.memory_space<vmem>>) target(%dma_start3A_128 : memref<512xf32, #tpu.memory_space<hbm>>) target_semaphore(%run_scoped3A : memref<!tpu.dma_semaphore, #tpu.memory_space<semaphore_mem>>)
      %dma_wait3A_129 = tpu.memref_slice %arg4[%mul3A_127] : memref<16384xf32, #tpu.memory_space<hbm>> -> memref<512xf32, #tpu.memory_space<hbm>>
      %dma_wait3A_130 = tpu.memref_slice %arg4[%mul3A_127] : memref<16384xf32, #tpu.memory_space<hbm>> -> memref<512xf32, #tpu.memory_space<hbm>>
      tpu.wait_dma2 semaphore(%run_scoped3A : memref<!tpu.dma_semaphore, #tpu.memory_space<semaphore_mem>>) src(%arg7 : memref<512xf32, #tpu.memory_space<vmem>>) dst(%dma_wait3A_130 : memref<512xf32, #tpu.memory_space<hbm>>)
      tpu.yield
    }) : () -> ()
    return
  }
}

#map = affine_map<(d0, d1) -> (0, 0)>
#map1 = affine_map<(d0, d1) -> (0, 0, 0)>
module attributes {stable_mosaic.version = 14 : i64} {
  func.func @sc_deep(%arg0: i32, %arg1: i32, %arg2: memref<1000000x16xf32, #tpu.memory_space<hbm>>, %arg3: memref<32x52x256xi32, #tpu.memory_space<hbm>>, %arg4: memref<425984x16xf32, #tpu.memory_space<hbm>>, %arg5: memref<52x256xi32, #tpu.memory_space<vmem>>, %arg6: memref<2x3328x16xf32, #tpu.memory_space<vmem>>, %arg7: memref<!tpu.dma_semaphore, #tpu.memory_space<semaphore_mem>>, %arg8: memref<!tpu.dma_semaphore, #tpu.memory_space<semaphore_mem>>) attributes {dimension_semantics = [#tpu.dimension_semantics<core_parallel>, #tpu.dimension_semantics<subcore_parallel>], iteration_bounds = array<i64: 2, 16>, scalar_prefetch = 0 : i64, scratch_operands = 4 : i64, tpu.core_type = #tpu.core_type<sc_vector_subcore>, window_params = [{transform_indices = #map}, {transform_indices = #map1}, {transform_indices = #map}]} {
    %mul3A = arith.constant 2 : i32
    %mul3A_0 = arith.muli %arg1, %mul3A : i32
    %add3A = arith.addi %mul3A_0, %arg0 : i32
    "tpu.region"() ({
      %run_scoped3A = tpu.sem_alloc : memref<!tpu.dma_semaphore, #tpu.memory_space<semaphore_mem>>
      %dma_start3A_222 = arith.constant 0 : i32
      %dma_start3A_223 = arith.constant 0 : i32
      %dma_start3A_224 = tpu.memref_slice %arg3[%add3A, %dma_start3A_222, %dma_start3A_223] : memref<32x52x256xi32, #tpu.memory_space<hbm>> -> memref<1x52x256xi32, #tpu.memory_space<hbm>>
      %dma_start3A_225 = tpu.memref_squeeze %dma_start3A_224 : memref<1x52x256xi32, #tpu.memory_space<hbm>> -> memref<52x256xi32, #tpu.memory_space<hbm>>
      %dma_start3A_226 = arith.constant 0 : i32
      %dma_start3A_227 = arith.constant 0 : i32
      %dma_start3A_228 = tpu.memref_slice %arg3[%add3A, %dma_start3A_226, %dma_start3A_227] : memref<32x52x256xi32, #tpu.memory_space<hbm>> -> memref<1x52x256xi32, #tpu.memory_space<hbm>>
      %dma_start3A_229 = tpu.memref_squeeze %dma_start3A_228 : memref<1x52x256xi32, #tpu.memory_space<hbm>> -> memref<52x256xi32, #tpu.memory_space<hbm>>
      tpu.enqueue_dma source(%dma_start3A_229 : memref<52x256xi32, #tpu.memory_space<hbm>>) target(%arg5 : memref<52x256xi32, #tpu.memory_space<vmem>>) target_semaphore(%run_scoped3A : memref<!tpu.dma_semaphore, #tpu.memory_space<semaphore_mem>>)
      %dma_wait3A_230 = arith.constant 0 : i32
      %dma_wait3A_231 = arith.constant 0 : i32
      %dma_wait3A_232 = tpu.memref_slice %arg3[%add3A, %dma_wait3A_230, %dma_wait3A_231] : memref<32x52x256xi32, #tpu.memory_space<hbm>> -> memref<1x52x256xi32, #tpu.memory_space<hbm>>
      %dma_wait3A_233 = tpu.memref_squeeze %dma_wait3A_232 : memref<1x52x256xi32, #tpu.memory_space<hbm>> -> memref<52x256xi32, #tpu.memory_space<hbm>>
      %dma_wait3A_234 = arith.constant 0 : i32
      %dma_wait3A_235 = arith.constant 0 : i32
      %dma_wait3A_236 = tpu.memref_slice %arg3[%add3A, %dma_wait3A_234, %dma_wait3A_235] : memref<32x52x256xi32, #tpu.memory_space<hbm>> -> memref<1x52x256xi32, #tpu.memory_space<hbm>>
      %dma_wait3A_237 = tpu.memref_squeeze %dma_wait3A_236 : memref<1x52x256xi32, #tpu.memory_space<hbm>> -> memref<52x256xi32, #tpu.memory_space<hbm>>
      tpu.wait_dma2 semaphore(%run_scoped3A : memref<!tpu.dma_semaphore, #tpu.memory_space<semaphore_mem>>) src(%dma_wait3A_237 : memref<52x256xi32, #tpu.memory_space<hbm>>) dst(%arg5 : memref<52x256xi32, #tpu.memory_space<vmem>>)
      tpu.yield
    }) : () -> ()
    %scan3A = arith.constant 0 : i32
    %scan3A_1 = arith.constant 0 : i32
    %scan3A_2 = arith.constant 13 : i32
    %scan3A_3 = arith.addi %scan3A_1, %scan3A_2 : i32
    %scan3A_4 = arith.constant 1 : i32
    %scan3A_5 = scf.for %scan3A_222 = %scan3A_1 to %scan3A_3 step %scan3A_4 iter_args(%scan3A_223 = %scan3A) -> (i32)  : i32 {
      %add3A_224 = arith.constant 0 : i32
      %add3A_225 = arith.addi %add3A_224, %scan3A_222 : i32
      %mul3A_226 = arith.constant 256 : i32
      %mul3A_227 = arith.muli %scan3A_222, %mul3A_226 : i32
      %dma_start3A_228 = arith.constant 0 : i32
      %dma_start3A_229 = arith.constant 0 : i32
      %dma_start3A_230 = tpu.memref_slice %arg6[%dma_start3A_228, %mul3A_227, %dma_start3A_229] : memref<2x3328x16xf32, #tpu.memory_space<vmem>> -> memref<1x256x16xf32, #tpu.memory_space<vmem>>
      %dma_start3A_231 = tpu.memref_squeeze %dma_start3A_230 : memref<1x256x16xf32, #tpu.memory_space<vmem>> -> memref<256x16xf32, #tpu.memory_space<vmem>>
      %dma_start3A_232 = arith.constant 0 : i32
      %dma_start3A_233 = tpu.memref_slice %arg5[%add3A_225, %dma_start3A_232] : memref<52x256xi32, #tpu.memory_space<vmem>> -> memref<1x256xi32, #tpu.memory_space<vmem>>
      %dma_start3A_234 = tpu.memref_squeeze %dma_start3A_233 : memref<1x256xi32, #tpu.memory_space<vmem>> -> memref<256xi32, #tpu.memory_space<vmem>>
      %dma_start3A_235 = arith.constant 0 : i32
      %dma_start3A_236 = arith.constant 0 : i32
      %dma_start3A_237 = tpu.memref_slice %arg2[%dma_start3A_235, %dma_start3A_236] : memref<1000000x16xf32, #tpu.memory_space<hbm>> -> memref<1000000x16xf32, #tpu.memory_space<hbm>>
      tpu.enqueue_indirect_dma source(%dma_start3A_237 : memref<1000000x16xf32, #tpu.memory_space<hbm>>) target(%dma_start3A_231 : memref<256x16xf32, #tpu.memory_space<vmem>>) offsets(%dma_start3A_234 : memref<256xi32, #tpu.memory_space<vmem>>) semaphore(%arg7 : memref<!tpu.dma_semaphore, #tpu.memory_space<semaphore_mem>>)
      %scan3A_238 = arith.constant 0 : i32
      scf.yield %scan3A_238 : i32
    }
    %scan3A_6 = arith.constant 13 : i32
    %scan3A_7 = arith.constant 0 : i32
    %scan3A_8 = arith.constant 0 : i32
    %scan3A_9 = arith.constant 13 : i32
    %scan3A_10 = arith.addi %scan3A_8, %scan3A_9 : i32
    %scan3A_11 = arith.constant 1 : i32
    %scan3A_12 = scf.for %scan3A_222 = %scan3A_8 to %scan3A_10 step %scan3A_11 iter_args(%scan3A_223 = %scan3A_7) -> (i32)  : i32 {
      %add3A_224 = arith.constant 13 : i32
      %add3A_225 = arith.addi %add3A_224, %scan3A_222 : i32
      %mul3A_226 = arith.constant 256 : i32
      %mul3A_227 = arith.muli %scan3A_222, %mul3A_226 : i32
      %dma_start3A_228 = arith.constant 1 : i32
      %dma_start3A_229 = arith.constant 0 : i32
      %dma_start3A_230 = tpu.memref_slice %arg6[%dma_start3A_228, %mul3A_227, %dma_start3A_229] : memref<2x3328x16xf32, #tpu.memory_space<vmem>> -> memref<1x256x16xf32, #tpu.memory_space<vmem>>
      %dma_start3A_231 = tpu.memref_squeeze %dma_start3A_230 : memref<1x256x16xf32, #tpu.memory_space<vmem>> -> memref<256x16xf32, #tpu.memory_space<vmem>>
      %dma_start3A_232 = arith.constant 0 : i32
      %dma_start3A_233 = tpu.memref_slice %arg5[%add3A_225, %dma_start3A_232] : memref<52x256xi32, #tpu.memory_space<vmem>> -> memref<1x256xi32, #tpu.memory_space<vmem>>
      %dma_start3A_234 = tpu.memref_squeeze %dma_start3A_233 : memref<1x256xi32, #tpu.memory_space<vmem>> -> memref<256xi32, #tpu.memory_space<vmem>>
      %dma_start3A_235 = arith.constant 0 : i32
      %dma_start3A_236 = arith.constant 0 : i32
      %dma_start3A_237 = tpu.memref_slice %arg2[%dma_start3A_235, %dma_start3A_236] : memref<1000000x16xf32, #tpu.memory_space<hbm>> -> memref<1000000x16xf32, #tpu.memory_space<hbm>>
      tpu.enqueue_indirect_dma source(%dma_start3A_237 : memref<1000000x16xf32, #tpu.memory_space<hbm>>) target(%dma_start3A_231 : memref<256x16xf32, #tpu.memory_space<vmem>>) offsets(%dma_start3A_234 : memref<256xi32, #tpu.memory_space<vmem>>) semaphore(%arg7 : memref<!tpu.dma_semaphore, #tpu.memory_space<semaphore_mem>>)
      %scan3A_238 = arith.constant 0 : i32
      scf.yield %scan3A_238 : i32
    }
    %scan3A_13 = arith.constant 13 : i32
    %dma_wait3A = arith.constant 0 : i32
    %dma_wait3A_14 = arith.constant 0 : i32
    %dma_wait3A_15 = arith.constant 0 : i32
    %dma_wait3A_16 = tpu.memref_slice %arg6[%dma_wait3A, %dma_wait3A_14, %dma_wait3A_15] : memref<2x3328x16xf32, #tpu.memory_space<vmem>> -> memref<1x3328x16xf32, #tpu.memory_space<vmem>>
    %dma_wait3A_17 = tpu.memref_squeeze %dma_wait3A_16 : memref<1x3328x16xf32, #tpu.memory_space<vmem>> -> memref<3328x16xf32, #tpu.memory_space<vmem>>
    %dma_wait3A_18 = arith.constant 0 : i32
    %dma_wait3A_19 = arith.constant 0 : i32
    %dma_wait3A_20 = tpu.memref_slice %arg2[%dma_wait3A_18, %dma_wait3A_19] : memref<1000000x16xf32, #tpu.memory_space<hbm>> -> memref<3328x16xf32, #tpu.memory_space<hbm>>
    %dma_wait3A_21 = arith.constant 0 : i32
    %dma_wait3A_22 = arith.constant 0 : i32
    %dma_wait3A_23 = tpu.memref_slice %arg6[%dma_wait3A, %dma_wait3A_21, %dma_wait3A_22] : memref<2x3328x16xf32, #tpu.memory_space<vmem>> -> memref<1x3328x16xf32, #tpu.memory_space<vmem>>
    %dma_wait3A_24 = tpu.memref_squeeze %dma_wait3A_23 : memref<1x3328x16xf32, #tpu.memory_space<vmem>> -> memref<3328x16xf32, #tpu.memory_space<vmem>>
    %dma_wait3A_25 = arith.constant 0 : i32
    %dma_wait3A_26 = arith.constant 0 : i32
    %dma_wait3A_27 = tpu.memref_slice %arg2[%dma_wait3A_25, %dma_wait3A_26] : memref<1000000x16xf32, #tpu.memory_space<hbm>> -> memref<3328x16xf32, #tpu.memory_space<hbm>>
    tpu.wait_dma2 semaphore(%arg7 : memref<!tpu.dma_semaphore, #tpu.memory_space<semaphore_mem>>) src(%dma_wait3A_27 : memref<3328x16xf32, #tpu.memory_space<hbm>>) dst(%dma_wait3A_24 : memref<3328x16xf32, #tpu.memory_space<vmem>>)
    %mul3A_28 = arith.constant 13312 : i32
    %mul3A_29 = arith.muli %add3A, %mul3A_28 : i32
    %add3A_30 = arith.constant 0 : i32
    %add3A_31 = arith.addi %mul3A_29, %add3A_30 : i32
    %dma_start3A = arith.constant 0 : i32
    %dma_start3A_32 = arith.constant 0 : i32
    %dma_start3A_33 = arith.constant 0 : i32
    %dma_start3A_34 = tpu.memref_slice %arg6[%dma_start3A, %dma_start3A_32, %dma_start3A_33] : memref<2x3328x16xf32, #tpu.memory_space<vmem>> -> memref<1x3328x16xf32, #tpu.memory_space<vmem>>
    %dma_start3A_35 = tpu.memref_squeeze %dma_start3A_34 : memref<1x3328x16xf32, #tpu.memory_space<vmem>> -> memref<3328x16xf32, #tpu.memory_space<vmem>>
    %dma_start3A_36 = arith.constant 0 : i32
    %dma_start3A_37 = tpu.memref_slice %arg4[%add3A_31, %dma_start3A_36] : memref<425984x16xf32, #tpu.memory_space<hbm>> -> memref<3328x16xf32, #tpu.memory_space<hbm>>
    %dma_start3A_38 = arith.constant 0 : i32
    %dma_start3A_39 = tpu.memref_slice %arg4[%add3A_31, %dma_start3A_38] : memref<425984x16xf32, #tpu.memory_space<hbm>> -> memref<3328x16xf32, #tpu.memory_space<hbm>>
    %dma_start3A_40 = arith.constant 0 : i32
    %dma_start3A_41 = arith.constant 0 : i32
    %dma_start3A_42 = tpu.memref_slice %arg6[%dma_start3A, %dma_start3A_40, %dma_start3A_41] : memref<2x3328x16xf32, #tpu.memory_space<vmem>> -> memref<1x3328x16xf32, #tpu.memory_space<vmem>>
    %dma_start3A_43 = tpu.memref_squeeze %dma_start3A_42 : memref<1x3328x16xf32, #tpu.memory_space<vmem>> -> memref<3328x16xf32, #tpu.memory_space<vmem>>
    tpu.enqueue_dma source(%dma_start3A_43 : memref<3328x16xf32, #tpu.memory_space<vmem>>) target(%dma_start3A_39 : memref<3328x16xf32, #tpu.memory_space<hbm>>) target_semaphore(%arg8 : memref<!tpu.dma_semaphore, #tpu.memory_space<semaphore_mem>>)
    %mul3A_44 = arith.constant 13312 : i32
    %mul3A_45 = arith.muli %add3A, %mul3A_44 : i32
    %add3A_46 = arith.constant 0 : i32
    %add3A_47 = arith.addi %mul3A_45, %add3A_46 : i32
    %dma_wait3A_48 = arith.constant 0 : i32
    %dma_wait3A_49 = arith.constant 0 : i32
    %dma_wait3A_50 = arith.constant 0 : i32
    %dma_wait3A_51 = tpu.memref_slice %arg6[%dma_wait3A_48, %dma_wait3A_49, %dma_wait3A_50] : memref<2x3328x16xf32, #tpu.memory_space<vmem>> -> memref<1x3328x16xf32, #tpu.memory_space<vmem>>
    %dma_wait3A_52 = tpu.memref_squeeze %dma_wait3A_51 : memref<1x3328x16xf32, #tpu.memory_space<vmem>> -> memref<3328x16xf32, #tpu.memory_space<vmem>>
    %dma_wait3A_53 = arith.constant 0 : i32
    %dma_wait3A_54 = tpu.memref_slice %arg4[%add3A_47, %dma_wait3A_53] : memref<425984x16xf32, #tpu.memory_space<hbm>> -> memref<3328x16xf32, #tpu.memory_space<hbm>>
    %dma_wait3A_55 = arith.constant 0 : i32
    %dma_wait3A_56 = tpu.memref_slice %arg4[%add3A_47, %dma_wait3A_55] : memref<425984x16xf32, #tpu.memory_space<hbm>> -> memref<3328x16xf32, #tpu.memory_space<hbm>>
    %dma_wait3A_57 = arith.constant 0 : i32
    %dma_wait3A_58 = arith.constant 0 : i32
    %dma_wait3A_59 = tpu.memref_slice %arg6[%dma_wait3A_48, %dma_wait3A_57, %dma_wait3A_58] : memref<2x3328x16xf32, #tpu.memory_space<vmem>> -> memref<1x3328x16xf32, #tpu.memory_space<vmem>>
    %dma_wait3A_60 = tpu.memref_squeeze %dma_wait3A_59 : memref<1x3328x16xf32, #tpu.memory_space<vmem>> -> memref<3328x16xf32, #tpu.memory_space<vmem>>
    tpu.wait_dma2 semaphore(%arg8 : memref<!tpu.dma_semaphore, #tpu.memory_space<semaphore_mem>>) src(%dma_wait3A_60 : memref<3328x16xf32, #tpu.memory_space<vmem>>) dst(%dma_wait3A_56 : memref<3328x16xf32, #tpu.memory_space<hbm>>)
    %scan3A_61 = arith.constant 0 : i32
    %scan3A_62 = arith.constant 0 : i32
    %scan3A_63 = arith.constant 13 : i32
    %scan3A_64 = arith.addi %scan3A_62, %scan3A_63 : i32
    %scan3A_65 = arith.constant 1 : i32
    %scan3A_66 = scf.for %scan3A_222 = %scan3A_62 to %scan3A_64 step %scan3A_65 iter_args(%scan3A_223 = %scan3A_61) -> (i32)  : i32 {
      %add3A_224 = arith.constant 26 : i32
      %add3A_225 = arith.addi %add3A_224, %scan3A_222 : i32
      %mul3A_226 = arith.constant 256 : i32
      %mul3A_227 = arith.muli %scan3A_222, %mul3A_226 : i32
      %dma_start3A_228 = arith.constant 0 : i32
      %dma_start3A_229 = arith.constant 0 : i32
      %dma_start3A_230 = tpu.memref_slice %arg6[%dma_start3A_228, %mul3A_227, %dma_start3A_229] : memref<2x3328x16xf32, #tpu.memory_space<vmem>> -> memref<1x256x16xf32, #tpu.memory_space<vmem>>
      %dma_start3A_231 = tpu.memref_squeeze %dma_start3A_230 : memref<1x256x16xf32, #tpu.memory_space<vmem>> -> memref<256x16xf32, #tpu.memory_space<vmem>>
      %dma_start3A_232 = arith.constant 0 : i32
      %dma_start3A_233 = tpu.memref_slice %arg5[%add3A_225, %dma_start3A_232] : memref<52x256xi32, #tpu.memory_space<vmem>> -> memref<1x256xi32, #tpu.memory_space<vmem>>
      %dma_start3A_234 = tpu.memref_squeeze %dma_start3A_233 : memref<1x256xi32, #tpu.memory_space<vmem>> -> memref<256xi32, #tpu.memory_space<vmem>>
      %dma_start3A_235 = arith.constant 0 : i32
      %dma_start3A_236 = arith.constant 0 : i32
      %dma_start3A_237 = tpu.memref_slice %arg2[%dma_start3A_235, %dma_start3A_236] : memref<1000000x16xf32, #tpu.memory_space<hbm>> -> memref<1000000x16xf32, #tpu.memory_space<hbm>>
      tpu.enqueue_indirect_dma source(%dma_start3A_237 : memref<1000000x16xf32, #tpu.memory_space<hbm>>) target(%dma_start3A_231 : memref<256x16xf32, #tpu.memory_space<vmem>>) offsets(%dma_start3A_234 : memref<256xi32, #tpu.memory_space<vmem>>) semaphore(%arg7 : memref<!tpu.dma_semaphore, #tpu.memory_space<semaphore_mem>>)
      %scan3A_238 = arith.constant 0 : i32
      scf.yield %scan3A_238 : i32
    }
    %scan3A_67 = arith.constant 13 : i32
    %dma_wait3A_68 = arith.constant 1 : i32
    %dma_wait3A_69 = arith.constant 0 : i32
    %dma_wait3A_70 = arith.constant 0 : i32
    %dma_wait3A_71 = tpu.memref_slice %arg6[%dma_wait3A_68, %dma_wait3A_69, %dma_wait3A_70] : memref<2x3328x16xf32, #tpu.memory_space<vmem>> -> memref<1x3328x16xf32, #tpu.memory_space<vmem>>
    %dma_wait3A_72 = tpu.memref_squeeze %dma_wait3A_71 : memref<1x3328x16xf32, #tpu.memory_space<vmem>> -> memref<3328x16xf32, #tpu.memory_space<vmem>>
    %dma_wait3A_73 = arith.constant 0 : i32
    %dma_wait3A_74 = arith.constant 0 : i32
    %dma_wait3A_75 = tpu.memref_slice %arg2[%dma_wait3A_73, %dma_wait3A_74] : memref<1000000x16xf32, #tpu.memory_space<hbm>> -> memref<3328x16xf32, #tpu.memory_space<hbm>>
    %dma_wait3A_76 = arith.constant 0 : i32
    %dma_wait3A_77 = arith.constant 0 : i32
    %dma_wait3A_78 = tpu.memref_slice %arg6[%dma_wait3A_68, %dma_wait3A_76, %dma_wait3A_77] : memref<2x3328x16xf32, #tpu.memory_space<vmem>> -> memref<1x3328x16xf32, #tpu.memory_space<vmem>>
    %dma_wait3A_79 = tpu.memref_squeeze %dma_wait3A_78 : memref<1x3328x16xf32, #tpu.memory_space<vmem>> -> memref<3328x16xf32, #tpu.memory_space<vmem>>
    %dma_wait3A_80 = arith.constant 0 : i32
    %dma_wait3A_81 = arith.constant 0 : i32
    %dma_wait3A_82 = tpu.memref_slice %arg2[%dma_wait3A_80, %dma_wait3A_81] : memref<1000000x16xf32, #tpu.memory_space<hbm>> -> memref<3328x16xf32, #tpu.memory_space<hbm>>
    tpu.wait_dma2 semaphore(%arg7 : memref<!tpu.dma_semaphore, #tpu.memory_space<semaphore_mem>>) src(%dma_wait3A_82 : memref<3328x16xf32, #tpu.memory_space<hbm>>) dst(%dma_wait3A_79 : memref<3328x16xf32, #tpu.memory_space<vmem>>)
    %mul3A_83 = arith.constant 13312 : i32
    %mul3A_84 = arith.muli %add3A, %mul3A_83 : i32
    %add3A_85 = arith.constant 3328 : i32
    %add3A_86 = arith.addi %mul3A_84, %add3A_85 : i32
    %dma_start3A_87 = arith.constant 1 : i32
    %dma_start3A_88 = arith.constant 0 : i32
    %dma_start3A_89 = arith.constant 0 : i32
    %dma_start3A_90 = tpu.memref_slice %arg6[%dma_start3A_87, %dma_start3A_88, %dma_start3A_89] : memref<2x3328x16xf32, #tpu.memory_space<vmem>> -> memref<1x3328x16xf32, #tpu.memory_space<vmem>>
    %dma_start3A_91 = tpu.memref_squeeze %dma_start3A_90 : memref<1x3328x16xf32, #tpu.memory_space<vmem>> -> memref<3328x16xf32, #tpu.memory_space<vmem>>
    %dma_start3A_92 = arith.constant 0 : i32
    %dma_start3A_93 = tpu.memref_slice %arg4[%add3A_86, %dma_start3A_92] : memref<425984x16xf32, #tpu.memory_space<hbm>> -> memref<3328x16xf32, #tpu.memory_space<hbm>>
    %dma_start3A_94 = arith.constant 0 : i32
    %dma_start3A_95 = tpu.memref_slice %arg4[%add3A_86, %dma_start3A_94] : memref<425984x16xf32, #tpu.memory_space<hbm>> -> memref<3328x16xf32, #tpu.memory_space<hbm>>
    %dma_start3A_96 = arith.constant 0 : i32
    %dma_start3A_97 = arith.constant 0 : i32
    %dma_start3A_98 = tpu.memref_slice %arg6[%dma_start3A_87, %dma_start3A_96, %dma_start3A_97] : memref<2x3328x16xf32, #tpu.memory_space<vmem>> -> memref<1x3328x16xf32, #tpu.memory_space<vmem>>
    %dma_start3A_99 = tpu.memref_squeeze %dma_start3A_98 : memref<1x3328x16xf32, #tpu.memory_space<vmem>> -> memref<3328x16xf32, #tpu.memory_space<vmem>>
    tpu.enqueue_dma source(%dma_start3A_99 : memref<3328x16xf32, #tpu.memory_space<vmem>>) target(%dma_start3A_95 : memref<3328x16xf32, #tpu.memory_space<hbm>>) target_semaphore(%arg8 : memref<!tpu.dma_semaphore, #tpu.memory_space<semaphore_mem>>)
    %mul3A_100 = arith.constant 13312 : i32
    %mul3A_101 = arith.muli %add3A, %mul3A_100 : i32
    %add3A_102 = arith.constant 3328 : i32
    %add3A_103 = arith.addi %mul3A_101, %add3A_102 : i32
    %dma_wait3A_104 = arith.constant 1 : i32
    %dma_wait3A_105 = arith.constant 0 : i32
    %dma_wait3A_106 = arith.constant 0 : i32
    %dma_wait3A_107 = tpu.memref_slice %arg6[%dma_wait3A_104, %dma_wait3A_105, %dma_wait3A_106] : memref<2x3328x16xf32, #tpu.memory_space<vmem>> -> memref<1x3328x16xf32, #tpu.memory_space<vmem>>
    %dma_wait3A_108 = tpu.memref_squeeze %dma_wait3A_107 : memref<1x3328x16xf32, #tpu.memory_space<vmem>> -> memref<3328x16xf32, #tpu.memory_space<vmem>>
    %dma_wait3A_109 = arith.constant 0 : i32
    %dma_wait3A_110 = tpu.memref_slice %arg4[%add3A_103, %dma_wait3A_109] : memref<425984x16xf32, #tpu.memory_space<hbm>> -> memref<3328x16xf32, #tpu.memory_space<hbm>>
    %dma_wait3A_111 = arith.constant 0 : i32
    %dma_wait3A_112 = tpu.memref_slice %arg4[%add3A_103, %dma_wait3A_111] : memref<425984x16xf32, #tpu.memory_space<hbm>> -> memref<3328x16xf32, #tpu.memory_space<hbm>>
    %dma_wait3A_113 = arith.constant 0 : i32
    %dma_wait3A_114 = arith.constant 0 : i32
    %dma_wait3A_115 = tpu.memref_slice %arg6[%dma_wait3A_104, %dma_wait3A_113, %dma_wait3A_114] : memref<2x3328x16xf32, #tpu.memory_space<vmem>> -> memref<1x3328x16xf32, #tpu.memory_space<vmem>>
    %dma_wait3A_116 = tpu.memref_squeeze %dma_wait3A_115 : memref<1x3328x16xf32, #tpu.memory_space<vmem>> -> memref<3328x16xf32, #tpu.memory_space<vmem>>
    tpu.wait_dma2 semaphore(%arg8 : memref<!tpu.dma_semaphore, #tpu.memory_space<semaphore_mem>>) src(%dma_wait3A_116 : memref<3328x16xf32, #tpu.memory_space<vmem>>) dst(%dma_wait3A_112 : memref<3328x16xf32, #tpu.memory_space<hbm>>)
    %scan3A_117 = arith.constant 0 : i32
    %scan3A_118 = arith.constant 0 : i32
    %scan3A_119 = arith.constant 13 : i32
    %scan3A_120 = arith.addi %scan3A_118, %scan3A_119 : i32
    %scan3A_121 = arith.constant 1 : i32
    %scan3A_122 = scf.for %scan3A_222 = %scan3A_118 to %scan3A_120 step %scan3A_121 iter_args(%scan3A_223 = %scan3A_117) -> (i32)  : i32 {
      %add3A_224 = arith.constant 39 : i32
      %add3A_225 = arith.addi %add3A_224, %scan3A_222 : i32
      %mul3A_226 = arith.constant 256 : i32
      %mul3A_227 = arith.muli %scan3A_222, %mul3A_226 : i32
      %dma_start3A_228 = arith.constant 1 : i32
      %dma_start3A_229 = arith.constant 0 : i32
      %dma_start3A_230 = tpu.memref_slice %arg6[%dma_start3A_228, %mul3A_227, %dma_start3A_229] : memref<2x3328x16xf32, #tpu.memory_space<vmem>> -> memref<1x256x16xf32, #tpu.memory_space<vmem>>
      %dma_start3A_231 = tpu.memref_squeeze %dma_start3A_230 : memref<1x256x16xf32, #tpu.memory_space<vmem>> -> memref<256x16xf32, #tpu.memory_space<vmem>>
      %dma_start3A_232 = arith.constant 0 : i32
      %dma_start3A_233 = tpu.memref_slice %arg5[%add3A_225, %dma_start3A_232] : memref<52x256xi32, #tpu.memory_space<vmem>> -> memref<1x256xi32, #tpu.memory_space<vmem>>
      %dma_start3A_234 = tpu.memref_squeeze %dma_start3A_233 : memref<1x256xi32, #tpu.memory_space<vmem>> -> memref<256xi32, #tpu.memory_space<vmem>>
      %dma_start3A_235 = arith.constant 0 : i32
      %dma_start3A_236 = arith.constant 0 : i32
      %dma_start3A_237 = tpu.memref_slice %arg2[%dma_start3A_235, %dma_start3A_236] : memref<1000000x16xf32, #tpu.memory_space<hbm>> -> memref<1000000x16xf32, #tpu.memory_space<hbm>>
      tpu.enqueue_indirect_dma source(%dma_start3A_237 : memref<1000000x16xf32, #tpu.memory_space<hbm>>) target(%dma_start3A_231 : memref<256x16xf32, #tpu.memory_space<vmem>>) offsets(%dma_start3A_234 : memref<256xi32, #tpu.memory_space<vmem>>) semaphore(%arg7 : memref<!tpu.dma_semaphore, #tpu.memory_space<semaphore_mem>>)
      %scan3A_238 = arith.constant 0 : i32
      scf.yield %scan3A_238 : i32
    }
    %scan3A_123 = arith.constant 13 : i32
    %dma_wait3A_124 = arith.constant 0 : i32
    %dma_wait3A_125 = arith.constant 0 : i32
    %dma_wait3A_126 = arith.constant 0 : i32
    %dma_wait3A_127 = tpu.memref_slice %arg6[%dma_wait3A_124, %dma_wait3A_125, %dma_wait3A_126] : memref<2x3328x16xf32, #tpu.memory_space<vmem>> -> memref<1x3328x16xf32, #tpu.memory_space<vmem>>
    %dma_wait3A_128 = tpu.memref_squeeze %dma_wait3A_127 : memref<1x3328x16xf32, #tpu.memory_space<vmem>> -> memref<3328x16xf32, #tpu.memory_space<vmem>>
    %dma_wait3A_129 = arith.constant 0 : i32
    %dma_wait3A_130 = arith.constant 0 : i32
    %dma_wait3A_131 = tpu.memref_slice %arg2[%dma_wait3A_129, %dma_wait3A_130] : memref<1000000x16xf32, #tpu.memory_space<hbm>> -> memref<3328x16xf32, #tpu.memory_space<hbm>>
    %dma_wait3A_132 = arith.constant 0 : i32
    %dma_wait3A_133 = arith.constant 0 : i32
    %dma_wait3A_134 = tpu.memref_slice %arg6[%dma_wait3A_124, %dma_wait3A_132, %dma_wait3A_133] : memref<2x3328x16xf32, #tpu.memory_space<vmem>> -> memref<1x3328x16xf32, #tpu.memory_space<vmem>>
    %dma_wait3A_135 = tpu.memref_squeeze %dma_wait3A_134 : memref<1x3328x16xf32, #tpu.memory_space<vmem>> -> memref<3328x16xf32, #tpu.memory_space<vmem>>
    %dma_wait3A_136 = arith.constant 0 : i32
    %dma_wait3A_137 = arith.constant 0 : i32
    %dma_wait3A_138 = tpu.memref_slice %arg2[%dma_wait3A_136, %dma_wait3A_137] : memref<1000000x16xf32, #tpu.memory_space<hbm>> -> memref<3328x16xf32, #tpu.memory_space<hbm>>
    tpu.wait_dma2 semaphore(%arg7 : memref<!tpu.dma_semaphore, #tpu.memory_space<semaphore_mem>>) src(%dma_wait3A_138 : memref<3328x16xf32, #tpu.memory_space<hbm>>) dst(%dma_wait3A_135 : memref<3328x16xf32, #tpu.memory_space<vmem>>)
    %mul3A_139 = arith.constant 13312 : i32
    %mul3A_140 = arith.muli %add3A, %mul3A_139 : i32
    %add3A_141 = arith.constant 6656 : i32
    %add3A_142 = arith.addi %mul3A_140, %add3A_141 : i32
    %dma_start3A_143 = arith.constant 0 : i32
    %dma_start3A_144 = arith.constant 0 : i32
    %dma_start3A_145 = arith.constant 0 : i32
    %dma_start3A_146 = tpu.memref_slice %arg6[%dma_start3A_143, %dma_start3A_144, %dma_start3A_145] : memref<2x3328x16xf32, #tpu.memory_space<vmem>> -> memref<1x3328x16xf32, #tpu.memory_space<vmem>>
    %dma_start3A_147 = tpu.memref_squeeze %dma_start3A_146 : memref<1x3328x16xf32, #tpu.memory_space<vmem>> -> memref<3328x16xf32, #tpu.memory_space<vmem>>
    %dma_start3A_148 = arith.constant 0 : i32
    %dma_start3A_149 = tpu.memref_slice %arg4[%add3A_142, %dma_start3A_148] : memref<425984x16xf32, #tpu.memory_space<hbm>> -> memref<3328x16xf32, #tpu.memory_space<hbm>>
    %dma_start3A_150 = arith.constant 0 : i32
    %dma_start3A_151 = tpu.memref_slice %arg4[%add3A_142, %dma_start3A_150] : memref<425984x16xf32, #tpu.memory_space<hbm>> -> memref<3328x16xf32, #tpu.memory_space<hbm>>
    %dma_start3A_152 = arith.constant 0 : i32
    %dma_start3A_153 = arith.constant 0 : i32
    %dma_start3A_154 = tpu.memref_slice %arg6[%dma_start3A_143, %dma_start3A_152, %dma_start3A_153] : memref<2x3328x16xf32, #tpu.memory_space<vmem>> -> memref<1x3328x16xf32, #tpu.memory_space<vmem>>
    %dma_start3A_155 = tpu.memref_squeeze %dma_start3A_154 : memref<1x3328x16xf32, #tpu.memory_space<vmem>> -> memref<3328x16xf32, #tpu.memory_space<vmem>>
    tpu.enqueue_dma source(%dma_start3A_155 : memref<3328x16xf32, #tpu.memory_space<vmem>>) target(%dma_start3A_151 : memref<3328x16xf32, #tpu.memory_space<hbm>>) target_semaphore(%arg8 : memref<!tpu.dma_semaphore, #tpu.memory_space<semaphore_mem>>)
    %dma_wait3A_156 = arith.constant 1 : i32
    %dma_wait3A_157 = arith.constant 0 : i32
    %dma_wait3A_158 = arith.constant 0 : i32
    %dma_wait3A_159 = tpu.memref_slice %arg6[%dma_wait3A_156, %dma_wait3A_157, %dma_wait3A_158] : memref<2x3328x16xf32, #tpu.memory_space<vmem>> -> memref<1x3328x16xf32, #tpu.memory_space<vmem>>
    %dma_wait3A_160 = tpu.memref_squeeze %dma_wait3A_159 : memref<1x3328x16xf32, #tpu.memory_space<vmem>> -> memref<3328x16xf32, #tpu.memory_space<vmem>>
    %dma_wait3A_161 = arith.constant 0 : i32
    %dma_wait3A_162 = arith.constant 0 : i32
    %dma_wait3A_163 = tpu.memref_slice %arg2[%dma_wait3A_161, %dma_wait3A_162] : memref<1000000x16xf32, #tpu.memory_space<hbm>> -> memref<3328x16xf32, #tpu.memory_space<hbm>>
    %dma_wait3A_164 = arith.constant 0 : i32
    %dma_wait3A_165 = arith.constant 0 : i32
    %dma_wait3A_166 = tpu.memref_slice %arg6[%dma_wait3A_156, %dma_wait3A_164, %dma_wait3A_165] : memref<2x3328x16xf32, #tpu.memory_space<vmem>> -> memref<1x3328x16xf32, #tpu.memory_space<vmem>>
    %dma_wait3A_167 = tpu.memref_squeeze %dma_wait3A_166 : memref<1x3328x16xf32, #tpu.memory_space<vmem>> -> memref<3328x16xf32, #tpu.memory_space<vmem>>
    %dma_wait3A_168 = arith.constant 0 : i32
    %dma_wait3A_169 = arith.constant 0 : i32
    %dma_wait3A_170 = tpu.memref_slice %arg2[%dma_wait3A_168, %dma_wait3A_169] : memref<1000000x16xf32, #tpu.memory_space<hbm>> -> memref<3328x16xf32, #tpu.memory_space<hbm>>
    tpu.wait_dma2 semaphore(%arg7 : memref<!tpu.dma_semaphore, #tpu.memory_space<semaphore_mem>>) src(%dma_wait3A_170 : memref<3328x16xf32, #tpu.memory_space<hbm>>) dst(%dma_wait3A_167 : memref<3328x16xf32, #tpu.memory_space<vmem>>)
    %mul3A_171 = arith.constant 13312 : i32
    %mul3A_172 = arith.muli %add3A, %mul3A_171 : i32
    %add3A_173 = arith.constant 9984 : i32
    %add3A_174 = arith.addi %mul3A_172, %add3A_173 : i32
    %dma_start3A_175 = arith.constant 1 : i32
    %dma_start3A_176 = arith.constant 0 : i32
    %dma_start3A_177 = arith.constant 0 : i32
    %dma_start3A_178 = tpu.memref_slice %arg6[%dma_start3A_175, %dma_start3A_176, %dma_start3A_177] : memref<2x3328x16xf32, #tpu.memory_space<vmem>> -> memref<1x3328x16xf32, #tpu.memory_space<vmem>>
    %dma_start3A_179 = tpu.memref_squeeze %dma_start3A_178 : memref<1x3328x16xf32, #tpu.memory_space<vmem>> -> memref<3328x16xf32, #tpu.memory_space<vmem>>
    %dma_start3A_180 = arith.constant 0 : i32
    %dma_start3A_181 = tpu.memref_slice %arg4[%add3A_174, %dma_start3A_180] : memref<425984x16xf32, #tpu.memory_space<hbm>> -> memref<3328x16xf32, #tpu.memory_space<hbm>>
    %dma_start3A_182 = arith.constant 0 : i32
    %dma_start3A_183 = tpu.memref_slice %arg4[%add3A_174, %dma_start3A_182] : memref<425984x16xf32, #tpu.memory_space<hbm>> -> memref<3328x16xf32, #tpu.memory_space<hbm>>
    %dma_start3A_184 = arith.constant 0 : i32
    %dma_start3A_185 = arith.constant 0 : i32
    %dma_start3A_186 = tpu.memref_slice %arg6[%dma_start3A_175, %dma_start3A_184, %dma_start3A_185] : memref<2x3328x16xf32, #tpu.memory_space<vmem>> -> memref<1x3328x16xf32, #tpu.memory_space<vmem>>
    %dma_start3A_187 = tpu.memref_squeeze %dma_start3A_186 : memref<1x3328x16xf32, #tpu.memory_space<vmem>> -> memref<3328x16xf32, #tpu.memory_space<vmem>>
    tpu.enqueue_dma source(%dma_start3A_187 : memref<3328x16xf32, #tpu.memory_space<vmem>>) target(%dma_start3A_183 : memref<3328x16xf32, #tpu.memory_space<hbm>>) target_semaphore(%arg8 : memref<!tpu.dma_semaphore, #tpu.memory_space<semaphore_mem>>)
    %mul3A_188 = arith.constant 13312 : i32
    %mul3A_189 = arith.muli %add3A, %mul3A_188 : i32
    %add3A_190 = arith.constant 6656 : i32
    %add3A_191 = arith.addi %mul3A_189, %add3A_190 : i32
    %dma_wait3A_192 = arith.constant 0 : i32
    %dma_wait3A_193 = arith.constant 0 : i32
    %dma_wait3A_194 = arith.constant 0 : i32
    %dma_wait3A_195 = tpu.memref_slice %arg6[%dma_wait3A_192, %dma_wait3A_193, %dma_wait3A_194] : memref<2x3328x16xf32, #tpu.memory_space<vmem>> -> memref<1x3328x16xf32, #tpu.memory_space<vmem>>
    %dma_wait3A_196 = tpu.memref_squeeze %dma_wait3A_195 : memref<1x3328x16xf32, #tpu.memory_space<vmem>> -> memref<3328x16xf32, #tpu.memory_space<vmem>>
    %dma_wait3A_197 = arith.constant 0 : i32
    %dma_wait3A_198 = tpu.memref_slice %arg4[%add3A_191, %dma_wait3A_197] : memref<425984x16xf32, #tpu.memory_space<hbm>> -> memref<3328x16xf32, #tpu.memory_space<hbm>>
    %dma_wait3A_199 = arith.constant 0 : i32
    %dma_wait3A_200 = tpu.memref_slice %arg4[%add3A_191, %dma_wait3A_199] : memref<425984x16xf32, #tpu.memory_space<hbm>> -> memref<3328x16xf32, #tpu.memory_space<hbm>>
    %dma_wait3A_201 = arith.constant 0 : i32
    %dma_wait3A_202 = arith.constant 0 : i32
    %dma_wait3A_203 = tpu.memref_slice %arg6[%dma_wait3A_192, %dma_wait3A_201, %dma_wait3A_202] : memref<2x3328x16xf32, #tpu.memory_space<vmem>> -> memref<1x3328x16xf32, #tpu.memory_space<vmem>>
    %dma_wait3A_204 = tpu.memref_squeeze %dma_wait3A_203 : memref<1x3328x16xf32, #tpu.memory_space<vmem>> -> memref<3328x16xf32, #tpu.memory_space<vmem>>
    tpu.wait_dma2 semaphore(%arg8 : memref<!tpu.dma_semaphore, #tpu.memory_space<semaphore_mem>>) src(%dma_wait3A_204 : memref<3328x16xf32, #tpu.memory_space<vmem>>) dst(%dma_wait3A_200 : memref<3328x16xf32, #tpu.memory_space<hbm>>)
    %mul3A_205 = arith.constant 13312 : i32
    %mul3A_206 = arith.muli %add3A, %mul3A_205 : i32
    %add3A_207 = arith.constant 9984 : i32
    %add3A_208 = arith.addi %mul3A_206, %add3A_207 : i32
    %dma_wait3A_209 = arith.constant 1 : i32
    %dma_wait3A_210 = arith.constant 0 : i32
    %dma_wait3A_211 = arith.constant 0 : i32
    %dma_wait3A_212 = tpu.memref_slice %arg6[%dma_wait3A_209, %dma_wait3A_210, %dma_wait3A_211] : memref<2x3328x16xf32, #tpu.memory_space<vmem>> -> memref<1x3328x16xf32, #tpu.memory_space<vmem>>
    %dma_wait3A_213 = tpu.memref_squeeze %dma_wait3A_212 : memref<1x3328x16xf32, #tpu.memory_space<vmem>> -> memref<3328x16xf32, #tpu.memory_space<vmem>>
    %dma_wait3A_214 = arith.constant 0 : i32
    %dma_wait3A_215 = tpu.memref_slice %arg4[%add3A_208, %dma_wait3A_214] : memref<425984x16xf32, #tpu.memory_space<hbm>> -> memref<3328x16xf32, #tpu.memory_space<hbm>>
    %dma_wait3A_216 = arith.constant 0 : i32
    %dma_wait3A_217 = tpu.memref_slice %arg4[%add3A_208, %dma_wait3A_216] : memref<425984x16xf32, #tpu.memory_space<hbm>> -> memref<3328x16xf32, #tpu.memory_space<hbm>>
    %dma_wait3A_218 = arith.constant 0 : i32
    %dma_wait3A_219 = arith.constant 0 : i32
    %dma_wait3A_220 = tpu.memref_slice %arg6[%dma_wait3A_209, %dma_wait3A_218, %dma_wait3A_219] : memref<2x3328x16xf32, #tpu.memory_space<vmem>> -> memref<1x3328x16xf32, #tpu.memory_space<vmem>>
    %dma_wait3A_221 = tpu.memref_squeeze %dma_wait3A_220 : memref<1x3328x16xf32, #tpu.memory_space<vmem>> -> memref<3328x16xf32, #tpu.memory_space<vmem>>
    tpu.wait_dma2 semaphore(%arg8 : memref<!tpu.dma_semaphore, #tpu.memory_space<semaphore_mem>>) src(%dma_wait3A_221 : memref<3328x16xf32, #tpu.memory_space<vmem>>) dst(%dma_wait3A_217 : memref<3328x16xf32, #tpu.memory_space<hbm>>)
    return
  }
}

module attributes {stable_mosaic.version = 14 : i64} {
  func.func @_mlp_body(%arg0: i32, %arg1: memref<2048x16xf32, #tpu.memory_space<vmem>>, %arg2: memref<2048x416xf32, #tpu.memory_space<vmem>>, %arg3: memref<2048x1xf32, #tpu.memory_space<vmem>>, %arg4: memref<16x32xf32, #tpu.memory_space<vmem>>, %arg5: memref<416x32xf32, #tpu.memory_space<vmem>>, %arg6: memref<1x32xf32, #tpu.memory_space<vmem>>, %arg7: memref<32x32xf32, #tpu.memory_space<vmem>>, %arg8: memref<1x32xf32, #tpu.memory_space<vmem>>, %arg9: memref<1x32xf32, #tpu.memory_space<vmem>>, %arg10: memref<1x1xf32, #tpu.memory_space<vmem>>, %arg11: memref<1x16xf32, #tpu.memory_space<vmem>>, %arg12: memref<1x1xf32, #tpu.memory_space<vmem>>, %arg13: memref<2048x1xf32, #tpu.memory_space<vmem>>) attributes {dimension_semantics = [#tpu.dimension_semantics<arbitrary>], iteration_bounds = array<i64: 8>, scalar_prefetch = 0 : i64, scratch_operands = 0 : i64, tpu.core_type = #tpu.core_type<tc>, window_params = [{transform_indices = @transform_0, window_bounds = array<i64: 2048, 16>}, {transform_indices = @transform_1, window_bounds = array<i64: 2048, 416>}, {transform_indices = @transform_2, window_bounds = array<i64: 2048, 1>}, {pipeline_mode = #tpu.pipeline_mode<synchronous>, transform_indices = @transform_3, window_bounds = array<i64: 16, 32>}, {pipeline_mode = #tpu.pipeline_mode<synchronous>, transform_indices = @transform_4, window_bounds = array<i64: 416, 32>}, {pipeline_mode = #tpu.pipeline_mode<synchronous>, transform_indices = @transform_5, window_bounds = array<i64: 1, 32>}, {pipeline_mode = #tpu.pipeline_mode<synchronous>, transform_indices = @transform_6, window_bounds = array<i64: 32, 32>}, {pipeline_mode = #tpu.pipeline_mode<synchronous>, transform_indices = @transform_7, window_bounds = array<i64: 1, 32>}, {pipeline_mode = #tpu.pipeline_mode<synchronous>, transform_indices = @transform_8, window_bounds = array<i64: 1, 32>}, {pipeline_mode = #tpu.pipeline_mode<synchronous>, transform_indices = @transform_9, window_bounds = array<i64: 1, 1>}, {pipeline_mode = #tpu.pipeline_mode<synchronous>, transform_indices = @transform_10, window_bounds = array<i64: 1, 16>}, {pipeline_mode = #tpu.pipeline_mode<synchronous>, transform_indices = @transform_11, window_bounds = array<i64: 1, 1>}, {transform_indices = @transform_12, window_bounds = array<i64: 2048, 1>}]} {
    %get3A = arith.constant 0 : index
    %get3A_0 = arith.constant 0 : index
    %get3A_1 = vector.load %arg1[%get3A, %get3A_0] : memref<2048x16xf32, #tpu.memory_space<vmem>>, vector<2048x16xf32>
    %get3A_2 = arith.constant 0 : index
    %get3A_3 = arith.constant 0 : index
    %get3A_4 = vector.load %arg2[%get3A_2, %get3A_3] : memref<2048x416xf32, #tpu.memory_space<vmem>>, vector<2048x416xf32>
    %get3A_5 = arith.constant 0 : index
    %get3A_6 = arith.constant 0 : index
    %get3A_7 = vector.load %arg5[%get3A_5, %get3A_6] : memref<416x32xf32, #tpu.memory_space<vmem>>, vector<416x32xf32>
    %dot_general3A = arith.constant dense<0.000000e+00> : vector<2048x32xf32>
    %dot_general3A_8 = tpu.matmul %get3A_4, %get3A_7, %dot_general3A {dimension_numbers = #tpu.dot_dimension_numbers<[1], [0], [0], [1], [0, 0, 1, 1], [], []>, transpose_lhs_hint = false} : vector<2048x416xf32>, vector<416x32xf32>, vector<2048x32xf32> -> vector<2048x32xf32>
    %get3A_9 = arith.constant 0 : index
    %get3A_10 = arith.constant 0 : index
    %get3A_11 = vector.load %arg4[%get3A_9, %get3A_10] : memref<16x32xf32, #tpu.memory_space<vmem>>, vector<16x32xf32>
    %dot_general3A_12 = arith.constant dense<0.000000e+00> : vector<2048x32xf32>
    %dot_general3A_13 = tpu.matmul %get3A_1, %get3A_11, %dot_general3A_12 {dimension_numbers = #tpu.dot_dimension_numbers<[1], [0], [0], [1], [0, 0, 1, 1], [], []>, transpose_lhs_hint = false} : vector<2048x16xf32>, vector<16x32xf32>, vector<2048x32xf32> -> vector<2048x32xf32>
    %add3A = arith.addf %dot_general3A_8, %dot_general3A_13 : vector<2048x32xf32>
    %get3A_14 = arith.constant 0 : index
    %get3A_15 = arith.constant 0 : index
    %get3A_16 = vector.load %arg6[%get3A_14, %get3A_15] : memref<1x32xf32, #tpu.memory_space<vmem>>, vector<1x32xf32>
    %add3A_17 = vector.broadcast %get3A_16 : vector<1x32xf32> to vector<2048x32xf32>
    %add3A_18 = arith.addf %add3A, %add3A_17 : vector<2048x32xf32>
    %max3A = arith.constant 0.000000e+00 : f32
    %max3A_19 = vector.broadcast %max3A : f32 to vector<2048x32xf32>
    %max3A_20 = arith.maximumf %add3A_18, %max3A_19 : vector<2048x32xf32>
    %get3A_21 = arith.constant 0 : index
    %get3A_22 = arith.constant 0 : index
    %get3A_23 = vector.load %arg7[%get3A_21, %get3A_22] : memref<32x32xf32, #tpu.memory_space<vmem>>, vector<32x32xf32>
    %dot_general3A_24 = arith.constant dense<0.000000e+00> : vector<2048x32xf32>
    %dot_general3A_25 = tpu.matmul %max3A_20, %get3A_23, %dot_general3A_24 {dimension_numbers = #tpu.dot_dimension_numbers<[1], [0], [0], [1], [0, 0, 1, 1], [], []>, transpose_lhs_hint = false} : vector<2048x32xf32>, vector<32x32xf32>, vector<2048x32xf32> -> vector<2048x32xf32>
    %get3A_26 = arith.constant 0 : index
    %get3A_27 = arith.constant 0 : index
    %get3A_28 = vector.load %arg8[%get3A_26, %get3A_27] : memref<1x32xf32, #tpu.memory_space<vmem>>, vector<1x32xf32>
    %add3A_29 = vector.broadcast %get3A_28 : vector<1x32xf32> to vector<2048x32xf32>
    %add3A_30 = arith.addf %dot_general3A_25, %add3A_29 : vector<2048x32xf32>
    %max3A_31 = arith.constant 0.000000e+00 : f32
    %max3A_32 = vector.broadcast %max3A_31 : f32 to vector<2048x32xf32>
    %max3A_33 = arith.maximumf %add3A_30, %max3A_32 : vector<2048x32xf32>
    %get3A_34 = arith.constant 0 : index
    %get3A_35 = arith.constant 0 : index
    %get3A_36 = vector.load %arg9[%get3A_34, %get3A_35] : memref<1x32xf32, #tpu.memory_space<vmem>>, vector<1x32xf32>
    %mul3A = vector.broadcast %get3A_36 : vector<1x32xf32> to vector<2048x32xf32>
    %mul3A_37 = arith.mulf %max3A_33, %mul3A : vector<2048x32xf32>
    %reduce_sum3A = arith.constant dense<0.000000e+00> : vector<2048xf32>
    %reduce_sum3A_38 = vector.multi_reduction <add>, %mul3A_37, %reduce_sum3A [1] : vector<2048x32xf32> to vector<2048xf32>
    %broadcast_in_dim3A = vector.shape_cast %reduce_sum3A_38 : vector<2048xf32> to vector<2048x1xf32>
    %get3A_39 = arith.constant 0 : index
    %get3A_40 = arith.constant 0 : index
    %get3A_41 = vector.load %arg10[%get3A_39, %get3A_40] : memref<1x1xf32, #tpu.memory_space<vmem>>, vector<1x1xf32>
    %add3A_42 = vector.broadcast %get3A_41 : vector<1x1xf32> to vector<2048x1xf32>
    %add3A_43 = arith.addf %broadcast_in_dim3A, %add3A_42 : vector<2048x1xf32>
    %get3A_44 = arith.constant 0 : index
    %get3A_45 = arith.constant 0 : index
    %get3A_46 = vector.load %arg3[%get3A_44, %get3A_45] : memref<2048x1xf32, #tpu.memory_space<vmem>>, vector<2048x1xf32>
    %get3A_47 = arith.constant 0 : index
    %get3A_48 = arith.constant 0 : index
    %get3A_49 = vector.load %arg11[%get3A_47, %get3A_48] : memref<1x16xf32, #tpu.memory_space<vmem>>, vector<1x16xf32>
    %mul3A_50 = vector.broadcast %get3A_49 : vector<1x16xf32> to vector<2048x16xf32>
    %mul3A_51 = arith.mulf %get3A_1, %mul3A_50 : vector<2048x16xf32>
    %reduce_sum3A_52 = arith.constant dense<0.000000e+00> : vector<2048xf32>
    %reduce_sum3A_53 = vector.multi_reduction <add>, %mul3A_51, %reduce_sum3A_52 [1] : vector<2048x16xf32> to vector<2048xf32>
    %broadcast_in_dim3A_54 = vector.shape_cast %reduce_sum3A_53 : vector<2048xf32> to vector<2048x1xf32>
    %add3A_55 = arith.addf %get3A_46, %broadcast_in_dim3A_54 : vector<2048x1xf32>
    %get3A_56 = arith.constant 0 : index
    %get3A_57 = arith.constant 0 : index
    %get3A_58 = vector.load %arg12[%get3A_56, %get3A_57] : memref<1x1xf32, #tpu.memory_space<vmem>>, vector<1x1xf32>
    %add3A_59 = vector.broadcast %get3A_58 : vector<1x1xf32> to vector<2048x1xf32>
    %add3A_60 = arith.addf %add3A_55, %add3A_59 : vector<2048x1xf32>
    %add3A_61 = arith.addf %add3A_43, %add3A_60 : vector<2048x1xf32>
    %logistic3A = arith.negf %add3A_61 : vector<2048x1xf32>
    %logistic3A_62 = math.exp %logistic3A : vector<2048x1xf32>
    %logistic3A_63 = arith.constant 1.000000e+00 : f32
    %logistic3A_64 = vector.broadcast %logistic3A_63 : f32 to vector<2048x1xf32>
    %logistic3A_65 = arith.addf %logistic3A_64, %logistic3A_62 : vector<2048x1xf32>
    %logistic3A_66 = arith.divf %logistic3A_64, %logistic3A_65 : vector<2048x1xf32>
    %swap3A = arith.constant 0 : index
    %swap3A_67 = arith.constant 0 : index
    %swap3A_68 = vector.load %arg13[%swap3A, %swap3A_67] : memref<2048x1xf32, #tpu.memory_space<vmem>>, vector<2048x1xf32>
    tpu.vector_store %arg13[%swap3A, %swap3A_67], %logistic3A_66 {strides = array<i32>} : memref<2048x1xf32, #tpu.memory_space<vmem>>, vector<2048x1xf32>,
    return
  }
  func.func @transform_0(%arg0: i32) -> (i32, i32) {
    %c0_i32 = arith.constant 0 : i32
    %c0_i32_0 = arith.constant 0 : i32
    return %arg0, %c0_i32 : i32, i32
  }
  func.func @transform_1(%arg0: i32) -> (i32, i32) {
    %c0_i32 = arith.constant 0 : i32
    %c0_i32_0 = arith.constant 0 : i32
    return %arg0, %c0_i32 : i32, i32
  }
  func.func @transform_2(%arg0: i32) -> (i32, i32) {
    %c0_i32 = arith.constant 0 : i32
    %c0_i32_0 = arith.constant 0 : i32
    return %arg0, %c0_i32 : i32, i32
  }
  func.func @transform_3(%arg0: i32) -> (i32, i32) {
    %c0_i32 = arith.constant 0 : i32
    %c0_i32_0 = arith.constant 0 : i32
    %c0_i32_1 = arith.constant 0 : i32
    return %c0_i32, %c0_i32_0 : i32, i32
  }
  func.func @transform_4(%arg0: i32) -> (i32, i32) {
    %c0_i32 = arith.constant 0 : i32
    %c0_i32_0 = arith.constant 0 : i32
    %c0_i32_1 = arith.constant 0 : i32
    return %c0_i32, %c0_i32_0 : i32, i32
  }
  func.func @transform_5(%arg0: i32) -> (i32, i32) {
    %c0_i32 = arith.constant 0 : i32
    %c0_i32_0 = arith.constant 0 : i32
    %c0_i32_1 = arith.constant 0 : i32
    return %c0_i32, %c0_i32_0 : i32, i32
  }
  func.func @transform_6(%arg0: i32) -> (i32, i32) {
    %c0_i32 = arith.constant 0 : i32
    %c0_i32_0 = arith.constant 0 : i32
    %c0_i32_1 = arith.constant 0 : i32
    return %c0_i32, %c0_i32_0 : i32, i32
  }
  func.func @transform_7(%arg0: i32) -> (i32, i32) {
    %c0_i32 = arith.constant 0 : i32
    %c0_i32_0 = arith.constant 0 : i32
    %c0_i32_1 = arith.constant 0 : i32
    return %c0_i32, %c0_i32_0 : i32, i32
  }
  func.func @transform_8(%arg0: i32) -> (i32, i32) {
    %c0_i32 = arith.constant 0 : i32
    %c0_i32_0 = arith.constant 0 : i32
    %c0_i32_1 = arith.constant 0 : i32
    return %c0_i32, %c0_i32_0 : i32, i32
  }
  func.func @transform_9(%arg0: i32) -> (i32, i32) {
    %c0_i32 = arith.constant 0 : i32
    %c0_i32_0 = arith.constant 0 : i32
    %c0_i32_1 = arith.constant 0 : i32
    return %c0_i32, %c0_i32_0 : i32, i32
  }
  func.func @transform_10(%arg0: i32) -> (i32, i32) {
    %c0_i32 = arith.constant 0 : i32
    %c0_i32_0 = arith.constant 0 : i32
    %c0_i32_1 = arith.constant 0 : i32
    return %c0_i32, %c0_i32_0 : i32, i32
  }
  func.func @transform_11(%arg0: i32) -> (i32, i32) {
    %c0_i32 = arith.constant 0 : i32
    %c0_i32_0 = arith.constant 0 : i32
    %c0_i32_1 = arith.constant 0 : i32
    return %c0_i32, %c0_i32_0 : i32, i32
  }
  func.func @transform_12(%arg0: i32) -> (i32, i32) {
    %c0_i32 = arith.constant 0 : i32
    %c0_i32_0 = arith.constant 0 : i32
    return %arg0, %c0_i32 : i32, i32
  }
}

</mosaic_0001>

<sc_bundles>
// kernel: sc_deep.3.cloned.1.call-start
scs
__scs_entry_jumppad:
0x0: {  	(pc) =	sbr.rel $0x88, $3  }
0x1: {  	(tag) =	ssettag $0x0;
	lr =	simm.s32 $0x1  }
0x2: {  	[smem:$0x3F94] =	sst lr;
	_ =	strace $0xD0000000  }
0x3: {  	_ = 	snop  }
0x4: {  	_ = 	snop  }
0x5: {  	_ = 	snop  }
0x6: {  	_ = 	snop  }
0x7: {  	_ = 	snop  }
__scs_overlays_trampoline_lowered:
0x8: {  	[smem:$0x3FA3] =	sst s0  }
0x9: {  	[smem:$0x3FA4] =	sst s1  }
0xa: {  	[smem:$0x3FA5] =	sst s2  }
0xb: {  	[smem:$0x3FA6] =	sst s3  }
0xc: {  	[smem:$0x3FA7] =	sst s4  }
0xd: {  	[smem:$0x3FA8] =	sst s5  }
0xe: {  	[smem:$0x3FA9] =	sst s6  }
0xf: {  	[smem:$0x3FAA] =	sst s7  }
0x10: {  	[smem:$0x3FAB] =	sst s8  }
0x11: {  	[smem:$0x3FAC] =	sst s9;
	s0 =	simm.s32 @!p0 $0x0  }
0x12: {  	s1 =	sld [smem:$0x3F92];
	s0 =	simm.s32 @p0 $0x1  }
0x13: {  	[smem:$0x3FAD] =	sst s0;
	s0 =	simm.s32 @!p1 $0x0  }
0x14: {  	s2 =	sld [smem:$0x3F91];
	s0 =	simm.s32 @p1 $0x1  }
0x15: {  	[smem:$0x3FAE] =	sst s0;
	s0 =	simm.s32 @!p2 $0x0  }
0x16: {  	s3 =	sld [smem:$0x3FDB];
	s0 =	simm.s32 @p2 $0x1  }
0x17: {  	s4 =	simm.s32 $0x1BF5;
	[smem:$0x3FB0] =	sst s0  }
0x18: {  	s0 =	sld [smem:$0x3F93];
	_ =	swait.ge [sflag:s4], $0x0  }
0x19: {  	s7 =	sld [smem:$0x3F94]  }
0x1a: {  	s8 =	sadd.s32 $0xFFFFE003, lr  }
0x1b: {  	s9 =	sadd.s32 $0xFFFFFEF7, lr;
	s5 =	simm.s32 $0xFFFFFFFF;
	p2 =	slt.u32 s8, $0xFFFFF086  }
0x1c: {  	p1 =	slt.u32 s9, $0xF7A;
	s5 =	simm.s32 @!p2 $0x0  }
0x1d: {  	s5 =	simm.s32 @p1 $0x1;
	p0 =	seq.s32 s7, s2  }
0x1e: {  	s7 =	smul.u32 @!p0 $0xF7A, s2;
	p2 =	seq.s32 @!p0 s5, $0x0  }
0x1f: {  	s9 =	smul.u32 $0xF7A, s1;
	s8 =	simm.s32 @!p0 $0x1BF5;
	p2 =	por !p2, p0  }
0x20: {  	[sflag:s8] =	ssyncset.s32 @!p0 $0xFFFFF086;
	s6 =	sadd.s32 @!p0 s3, s7;
	s7 =	simm.s32 @!p0 $0x108  }
0x21: {  	s3 =	sadd.s32 s3, s9;
	s6 =	sadd.s32 @!p0 $0x88, s6;
	s7 =	simm.s32 @p2 $0x1082  }
0x22: {  	[simem:s7], [sflag:s8] =	dma.local @!p0 [hbm:s6], $0xF7A  }
0x23: {  	s9 =	sor.u32 $0xD0000000, s2;
	s6 =	simm.s32 $0x108;
	_ =	swait.ge @!p0 [sflag:s8], $0x0  }
0x24: {  	s3 =	sadd.s32 $0x88, s3;
	s6 =	simm.s32 @!p1 $0x1082;
	[sflag:s4] =	ssyncset.s32 $0xFFFFF086  }
0x25: {  	[simem:s6], [sflag:s4] =	dma.local [hbm:s3], $0xF7A  }
0x26: {  	[smem:$0x3F94] =	sst s1;
	(tag) =	ssettag s2;
	_ =	strace s9  }
0x27: {  	s1 =	sld [smem:$0x3FA4]  }
0x28: {  	s2 =	sld [smem:$0x3FA5]  }
0x29: {  	s4 =	sld [smem:$0x3FA7]  }
0x2a: {  	p0 =	seq.s32 s5, $0x0;
	s5 =	sld [smem:$0x3FA8]  }
0x2b: {  	s6 =	sld [smem:$0x3FA9]  }
0x2c: {  	s7 =	sld [smem:$0x3FAA]  }
0x2d: {  	s3 =	simm.s32 $0x108;
	s8 =	sld [smem:$0x3FAB]  }
0x2e: {  	s3 =	simm.s32 @!p0 $0x1082;
	s9 =	sld [smem:$0x3FAC]  }
0x2f: {  	lr =	sadd.s32 s0, s3;
	s0 =	sld [smem:$0x3FA3]  }
0x30: {  	s3 =	sld [smem:$0x3FA6]  }
0x31: {  	[smem:$0x3FAF] =	sst s10  }
0x32: {  	s10 =	sld [smem:$0x3FAD];
	_ =	sdelay $0x3  }
0x33: {  	p0 =	seq.s32 s10, $0x1;
	s10 =	sld [smem:$0x3FAF];
	_ =	sdelay $0x3  }
0x34: {  	[smem:$0x3FAF] =	sst s10  }
0x35: {  	s10 =	sld [smem:$0x3FAE];
	_ =	sdelay $0x3  }
0x36: {  	p1 =	seq.s32 s10, $0x1;
	s10 =	sld [smem:$0x3FAF];
	_ =	sdelay $0x3  }
0x37: {  	[smem:$0x3FAF] =	sst s10  }
0x38: {  	s10 =	sld [smem:$0x3FB0]  }
0x39: {  	_ = 	snop;
	(pc) =	sbr.ind lr, $3  }
0x3a: {  	_ = 	snop  }
0x3b: {  	_ = 	snop  }
0x3c: {  	p2 =	seq.s32 s10, $0x1;
	s10 =	sld [smem:$0x3FAF]  }
0x3d: {  	_ =	shalt  }
0x3e: {  	_ =	shalt  }
0x3f: {  	_ =	shalt  }
0x40: {  	_ =	shalt  }
0x41: {  	_ =	shalt  }
0x42: {  	_ =	shalt  }
0x43: {  	_ =	shalt  }
0x44: {  	_ =	shalt  }
0x45: {  	_ =	shalt  }
0x46: {  	_ =	shalt  }
0x47: {  	_ =	shalt  }
0x48: {  	_ =	shalt  }
0x49: {  	_ =	shalt  }
0x4a: {  	_ =	shalt  }
0x4b: {  	_ =	shalt  }
0x4c: {  	_ =	shalt  }
0x4d: {  	_ =	shalt  }
0x4e: {  	_ =	shalt  }
0x4f: {  	_ =	shalt  }
0x50: {  	_ =	shalt  }
0x51: {  	_ =	shalt  }
0x52: {  	_ =	shalt  }
0x53: {  	_ =	shalt  }
0x54: {  	_ =	shalt  }
0x55: {  	_ =	shalt  }
0x56: {  	_ =	shalt  }
0x57: {  	_ =	shalt  }
0x58: {  	_ =	shalt  }
0x59: {  	_ =	shalt  }
0x5a: {  	_ =	shalt  }
0x5b: {  	_ =	shalt  }
0x5c: {  	_ =	shalt  }
0x5d: {  	_ =	shalt  }
0x5e: {  	_ =	shalt  }
0x5f: {  	_ =	shalt  }
0x60: {  	_ =	shalt  }
0x61: {  	_ =	shalt  }
0x62: {  	_ =	shalt  }
0x63: {  	_ =	shalt  }
0x64: {  	_ =	shalt  }
0x65: {  	_ =	shalt  }
0x66: {  	_ =	shalt  }
0x67: {  	_ =	shalt  }
0x68: {  	_ =	shalt  }
0x69: {  	_ =	shalt  }
0x6a: {  	_ =	shalt  }
0x6b: {  	_ =	shalt  }
0x6c: {  	_ =	shalt  }
0x6d: {  	_ =	shalt  }
0x6e: {  	_ =	shalt  }
0x6f: {  	_ =	shalt  }
0x70: {  	_ =	shalt  }
0x71: {  	_ =	shalt  }
0x72: {  	_ =	shalt  }
0x73: {  	_ =	shalt  }
0x74: {  	_ =	shalt  }
0x75: {  	_ =	shalt  }
0x76: {  	_ =	shalt  }
0x77: {  	_ =	shalt  }
0x78: {  	_ =	shalt  }
0x79: {  	_ =	shalt  }
0x7a: {  	_ =	shalt  }
0x7b: {  	_ =	shalt  }
0x7c: {  	_ =	shalt  }
0x7d: {  	_ =	shalt  }
0x7e: {  	_ =	shalt  }
0x7f: {  	_ =	shalt  }
0x80: {  	_ =	shalt  }
0x81: {  	_ =	shalt  }
0x82: {  	_ =	shalt  }
0x83: {  	_ =	shalt  }
0x84: {  	_ =	shalt  }
0x85: {  	_ =	shalt  }
0x86: {  	_ =	shalt  }
0x87: {  	_ =	shalt  }
.Lfunc_end0:
.L_simem_size_0:
called_computation.1_lowered:
.L_overlay_start_0:
0x88: {  	s2 =	sld [smem:$0x3FD9]  }
0x89: {  	s3 =	sld [smem:$0x3FFE];
	_ =	sdelay $0x1  }
0x8a: {  	s1 =	srdreg.scid  }
0x8b: {  	s0 =	sand.u32 $0x1, s1  }
0x8c: {  	s16 =	sshll.u32 s0, $0xA;
	s2 =	sadd.s32 s3, s2  }
0x8d: {  	s2 =	sadd.s32 s2, s16  }
0x8e: {  	[smem:$0x3FBB] =	sst s2  }
0x8f: {  	_ = 	snop  }
0x90: {  	(tm) =	ssettm $0x1  }
0x91: {  	s17 =	sld [smem:$0x3FFB];
	_ =	sdelay $0x3  }
0x92: {  	_ =	strace s17  }
0x93: {  	s2 =	sld [smem:$0x3FFC];
	_ =	sdelay $0x3  }
0x94: {  	_ =	strace s2  }
0x95: {  	s2 =	sld [smem:$0x3FFD];
	_ =	sdelay $0x3  }
0x96: {  	_ =	strace s2  }
0x97: {  	_ =	strace $0x8FFFFFFF  }
0x98: {  	s18 =	sld [smem:$0x3FDB];
	_ =	sdelay $0x1  }
0x99: {  	s19 =	simm.s32 $_scs_section_size  }
0x9a: {  	s4 =	simm.s32 $_size__tile_overlayer_lowered;
	s5 =	simm.s32 $_tile_overlayer_lowered  }
0x9b: {  	s22 =	simm.s32 $0x1BFF;
	s21 =	sshll.u32 s5, $0x1;
	s2 =	sadd.s32 s19, s18  }
0x9c: {  	s6 =	simm.s32 $0x0;
	s20 =	sshll.u32 s4, $0x1;
	s4 =	sadd.s32 s21, s2  }
0x9d: {  	[timem:s6], [sflag:s22] =	dma.local [hbm:s4], s20  }
0x9e: {  	_ =	swait.ge [sflag:s22], s20  }
0x9f: {  	s3 =	ssub.s32 $0x0, s20;
	[sflag:s22] =	ssyncset.done $0x0  }
0xa0: {  	[sflag:s22] =	ssyncadd.s32 s3;
	_ =	sdelay $0x1  }
0xa1: {  	s23 =	simm.s32 $0x1B8B  }
0xa2: {  	_ =	swait.ge [sflag:s23], $0x1  }
0xa3: {  	[sflag:s23] =	ssyncset.done $0x0  }
0xa4: {  	s25 =	simm.s32 $0x1B8E;
	s24 =	sld [smem:$0x3FFE];
	[sflag:s23] =	ssyncadd.s32 $0xFFFFFFFF  }
0xa5: {  	s26 =	simm.s32 $execute0_lowered;
	[smem:$0x3FD2] =	sst s25  }
0xa6: {  	s4 =	sshll.u32 s26, $0x1;
	_ =	strace $0x80000046;
	[dreg:$0x1] =	wrdreg $0xFFFFFFFF  }
0xa7: {  	s28 =	simm.s32 $_size_execute0_lowered;
	s2 =	sadd.s32 s2, s4;
	[dreg:$0x0] =	wrdreg $0x0  }
0xa8: {  	s4 =	sshll.u32 s28, $0x1;
	[dreg:$0x2] =	wrdreg s2  }
0xa9: {  	[dreg:$0x3] =	wrdreg s4  }
0xaa: {  	[dreg:$0x4] =	wrdreg $0xC0  }
0xab: {  	_ =	task [dreg:s6], $0x5FFFF  }
0xac: {  	[dreg:$0x1] =	wrdreg $0xFFFFFFFF  }
0xad: {  	[dreg:$0x0] =	wrdreg $0x60  }
0xae: {  	[dreg:$0x2] =	wrdreg s24  }
0xaf: {  	[dreg:$0x3] =	wrdreg $0xA  }
0xb0: {  	_ =	task.clear_ibuf [dreg:s6], $0x4FFFF;
	_ =	strace $0x90000046  }
0xb1: {  	s29 =	simm.s32 $0xA;
	_ =	strace $0x80000048  }
0xb2: {  	_ =	swait.ge [sflag:s29], $0x1  }
0xb3: {  	[sflag:s29] =	ssyncadd.s32 $0xFFFFFFFF  }
0xb4: {  	_ =	strace $0x90000048  }
0xb5: {  	_ =	sfence  }
0xb6: {  	s30 =	sld [smem:$0x0];
	_ =	sdelay $0x2  }
0xb7: {  	s31 =	sshll.u32 s1, $0xD;
	s1 =	sshrl.u32 s1, $0x2  }
0xb8: {  	s3 =	sand.u32 $0x4000, s31;
	s1 =	sadd.s32 s1, s30  }
0xb9: {  	s0 =	sor.u32 s3, s0;
	s1 =	sshll.u32 s1, $0x11  }
0xba: {  	s0 =	sor.u32 s1, s0  }
0xbb: {  	s0 =	sadd.s32 $0x8F2B, s0  }
0xbc: {  	[sflag:s0] =	ssyncadd.remote.s32 $0x1  }
0xbd: {  	_ =	sfence.sel $0xFFFF  }
0xbe: {  	[dreg:$0x0] =	wrdreg $0xFFFFFFFF;
	(pc) =	sbr.abs _section_cstart, $3  }
0xbf: {  	[dreg:$0x1] =	wrdreg $0xFFFFFFFF  }
0xc0: {  	_ =	task.clear_ibuf [dreg:s6], $0x2FFFF;
	_ =	strace $0x9FFFFFFF  }
0xc1: {  	(tm) =	ssettm $0x7FFFFFFF  }
tec
execute0_lowered:
.L_overlay_start_1:
0x0: {  	(tag) =	ssettag $0x1  }
0x1: {  	s0 =	srdreg.scid;
	s1 =	stileid.u32  }
0x2: {  	s0 =	sand.u32 $0x1, s0;
	s2 =	sshll.u32 s1, $0x1  }
0x3: {  	s1 =	rddreg [dreg:$0x0];
	s3 =	sor.u32 s0, s2;
	s2 =	simm.s32 $0x0  }
0x4: {  	s7 =	simm.s32 $0x300;
	[smem:$0x7FF] =	sst s2  }
0x5: {  	s8 =	simm.s32 $0x400;
	_ =	strace $0x80000047;
	[dreg:$0x8] =	wrdreg s7  }
0x6: {  	s9 =	simm.s32 $0x500;
	[dreg:$0x9] =	wrdreg s8  }
0x7: {  	s10 =	simm.s32 $0x600;
	[dreg:$0xa] =	wrdreg s9  }
0x8: {  	s11 =	simm.s32 $0x700;
	[dreg:$0xb] =	wrdreg s10  }
0x9: {  	s12 =	simm.s32 $0x800;
	[dreg:$0xc] =	wrdreg s11  }
0xa: {  	s13 =	simm.s32 $0x900;
	[dreg:$0xd] =	wrdreg s12  }
0xb: {  	s14 =	simm.s32 $0xA00;
	[dreg:$0xe] =	wrdreg s13  }
0xc: {  	s15 =	simm.s32 $0xB00;
	[dreg:$0xf] =	wrdreg s14  }
0xd: {  	s16 =	simm.s32 $0xC00;
	[dreg:$0x10] =	wrdreg s15  }
0xe: {  	s17 =	simm.s32 $0xD00;
	[dreg:$0x11] =	wrdreg s16  }
0xf: {  	s18 =	simm.s32 $0xE00;
	[dreg:$0x12] =	wrdreg s17  }
0x10: {  	s19 =	simm.s32 $0xF00;
	[dreg:$0x13] =	wrdreg s18  }
0x11: {  	s20 =	simm.s32 $0x1000;
	[dreg:$0x14] =	wrdreg s19  }
0x12: {  	s21 =	simm.s32 $0x1100;
	[dreg:$0x15] =	wrdreg s20  }
0x13: {  	s22 =	simm.s32 $0x1200;
	[dreg:$0x16] =	wrdreg s21  }
0x14: {  	s23 =	simm.s32 $0x1300;
	[dreg:$0x17] =	wrdreg s22  }
0x15: {  	[dreg:$0x18] =	wrdreg s23;
	s7 =	simm.s32 $0x1A00  }
0x16: {  	s29 =	simm.s32 $0xD400;
	s8 =	simm.s32 $0x1B00;
	[dreg:$0x1f] =	wrdreg s7  }
0x17: {  	s31 =	simm.s32 $0xE400;
	s9 =	simm.s32 $0x1C00;
	[smem:$0x7E5] =	sst s8  }
0x18: {  	p0 =	por $0x0, $0x0;
	s11 =	simm.s32 $0x1D00;
	[smem:$0x7E6] =	sst s9  }
0x19: {  	s30 =	simm.s32 $0x19400;
	s12 =	simm.s32 $0x1E00;
	[smem:$0x7E7] =	sst s11  }
0x1a: {  	s28 =	simm.s32 $0x1A400;
	s13 =	simm.s32 $0x1F00;
	[smem:$0x7E8] =	sst s12  }
0x1b: {  	s6 =	sadd.s32 $0xEA00, s1;
	s14 =	simm.s32 $0x2000;
	[smem:$0x7E9] =	sst s13  }
0x1c: {  	s0 =	ssub.s32 $0x2, s0;
	s15 =	simm.s32 $0x2100;
	[smem:$0x7EA] =	sst s14  }
0x1d: {  	s4 =	smul.u32 $0x680, s3;
	s16 =	simm.s32 $0x2200;
	[smem:$0x7EB] =	sst s15  }
0x1e: {  	s5 =	smul.u32 $0x34000, s3;
	s17 =	simm.s32 $0x2300;
	[smem:$0x7EC] =	sst s16  }
0x1f: {  	s3 =	smul.u32 $0x6800, s3;
	s18 =	simm.s32 $0x2400;
	[smem:$0x7ED] =	sst s17  }
0x20: {  	s10 =	sshrl.u32 s0, $0x1;
	s19 =	simm.s32 $0x2500;
	[smem:$0x7EE] =	sst s18  }
0x21: {  	s20 =	simm.s32 $0x2600;
	s21 =	simm.s32 $0x2700;
	[smem:$0x7EF] =	sst s19  }
0x22: {  	s22 =	simm.s32 $0x2800;
	s23 =	simm.s32 $0x2900;
	[smem:$0x7F0] =	sst s20  }
0x23: {  	s4 =	sadd.s32 s4, s1;
	s5 =	sshrl.u32 s5, $0x3;
	[smem:$0x7F1] =	sst s21  }
0x24: {  	s3 =	sadd.s32 s6, s3;
	s0 =	ssub.s32 s0, s10;
	[smem:$0x7F2] =	sst s22  }
0x25: {  	s9 =	simm.s32 $0x3400;
	s10 =	simm.s32 $0x4400;
	[smem:$0x7F3] =	sst s23  }
0x26: {  	s14 =	simm.s32 $0x6400;
	s7 =	simm.s32 $0x2D00;
	[dreg:$0x3] =	wrdreg s3  }
0x27: {  	s15 =	simm.s32 $0x7400;
	s8 =	simm.s32 $0x2F00;
	[smem:$0x7F7] =	sst s7  }
0x28: {  	s16 =	simm.s32 $0x8400;
	s11 =	simm.s32 $0x3000;
	[smem:$0x7F9] =	sst s8  }
0x29: {  	s17 =	simm.s32 $0x9400;
	s13 =	simm.s32 $0x3100;
	[smem:$0x7FA] =	sst s11  }
0x2a: {  	s19 =	simm.s32 $0xA400;
	s23 =	simm.s32 $0x3200;
	[smem:$0x7FB] =	sst s13  }
0x2b: {  	s21 =	simm.s32 $0xB400;
	s4 =	sadd.s32 $0x1A00, s4;
	[smem:$0x7FC] =	sst s23  }
0x2c: {  	s24 =	sadd.s32 s6, s5;
	s6 =	simm.s32 $0x200;
	[dreg:$0x2] =	wrdreg s4  }
0x2d: {  	s12 =	simm.s32 $0xF400;
	s7 =	simm.s32 $0x2E00;
	[dreg:$0x7] =	wrdreg s6  }
0x2e: {  	s18 =	simm.s32 $0x11400;
	s25 =	sadd.s32 $0x1A00, s24;
	[smem:$0x7F8] =	sst s7  }
0x2f: {  	s20 =	simm.s32 $0x12400;
	s26 =	sadd.s32 $0x3400, s24;
	[dreg:$0x4] =	wrdreg s25  }
0x30: {  	s22 =	simm.s32 $0x13400;
	s5 =	sadd.s32 $0x4E00, s24;
	[dreg:$0x5] =	wrdreg s26  }
0x31: {  	s3 =	sadd.s32 $0xF43E00, s1;
	s24 =	simm.s32 $0x1400;
	[dreg:$0x6] =	wrdreg s5  }
0x32: {  	s0 =	smax.u32 s0, $0x1;
	s4 =	simm.s32 $0x1700;
	[dreg:$0x19] =	wrdreg s24  }
0x33: {  	s1 =	simm.s32 $0x16400;
	s6 =	simm.s32 $0x1900;
	[dreg:$0x1c] =	wrdreg s4  }
0x34: {  	s23 =	simm.s32 $0x1B400;
	s8 =	simm.s32 $0x1;
	[dreg:$0x1e] =	wrdreg s6  }
0x35: {  	s13 =	simm.s32 $0x2;
	s25 =	simm.s32 $0x1500;
	s11 =	rddreg [dreg:$0x2]  }
0x36: {  	p1 =	sne.s32 s0, $0x1;
	s26 =	simm.s32 $0x1600;
	[dreg:$0x1a] =	wrdreg s25  }
0x37: {  	s0 =	sadd.s32 $0xFFFFFFFF, s0;
	s5 =	simm.s32 $0x1800;
	[dreg:$0x1b] =	wrdreg s26  }
.Ltmp0:
0x38: {  	s24 =	simm.s32 $0x2A00;
	[dreg:$0x1d] =	wrdreg s5;
	(pc) =	sbr.rel @!p1 .LBB2_1-.Ltmp0, $4  }
0x39: {  	s4 =	simm.s32 $0x3;
	s6 =	simm.s32 $0x2C00;
	[smem:$0x7F4] =	sst s24  }
0x3a: {  	s5 =	simm.s32 $0x100;
	s26 =	simm.s32 $0x2B00;
	[smem:$0x7F6] =	sst s6  }
0x3b: {  	s25 =	simm.s32 $0xC400;
	s24 =	simm.s32 $0x3300;
	[smem:$0x7F5] =	sst s26  }
0x3c: {  	s26 =	simm.s32 $0x14400;
	[smem:$0x7FD] =	sst s24;
	s24 =	simm.s32 $0x1C400  }
0x3d: {  	[tilespmem:s2], [sflag:$0x3] =	stream.linear.gather [hbm4b:s11+s2], $0x3400, $0x38;
	[tilespmem:$0x1D400] =	vst v63  }
0x3e: {  	_ =	swait.ge [sflag:s4], $0x3400  }
0x3f: {  	[sflag:s4] =	ssyncset.done $0x0  }
0x40: {  	[sflag:s4] =	ssyncadd.s32 $0xFFFFCC00  }
0x41: {  	[tilespmem:s9], [sflag:$0x1] =	stream.indirect.gather [hbm4b:s3+s5], $0x10, s2, s5, $0xb8;
	[tilespmem:$0x1D400] =	vst v63  }
0x42: {  	_ = 	snop  }
0x43: {  	[tilespmem:s10], [sflag:$0x1] =	stream.indirect.gather [hbm4b:s3+s5], $0x10, s5, s5, $0xb8;
	[tilespmem:$0x1D400] =	vst v63  }
0x44: {  	s11 =	rddreg [dreg:$0x7];
	s4 =	simm.s32 $0x5400  }
0x45: {  	[tilespmem:s4], [sflag:$0x1] =	stream.indirect.gather [hbm4b:s3+s5], $0x10, s11, s5, $0xb8;
	[tilespmem:$0x1D400] =	vst v63  }
0x46: {  	s31 =	simm.s32 $0x6400;
	s10 =	rddreg [dreg:$0x8]  }
0x47: {  	[tilespmem:s31], [sflag:$0x1] =	stream.indirect.gather [hbm4b:s3+s5], $0x10, s10, s5, $0xb8;
	[tilespmem:$0x1D400] =	vst v63  }
0x48: {  	s16 =	simm.s32 $0x7400;
	s11 =	rddreg [dreg:$0x9]  }
0x49: {  	[tilespmem:s16], [sflag:$0x1] =	stream.indirect.gather [hbm4b:s3+s5], $0x10, s11, s5, $0xb8;
	[tilespmem:$0x1D400] =	vst v63  }
0x4a: {  	s17 =	simm.s32 $0x8400;
	s10 =	rddreg [dreg:$0xa]  }
0x4b: {  	[tilespmem:s17], [sflag:$0x1] =	stream.indirect.gather [hbm4b:s3+s5], $0x10, s10, s5, $0xb8;
	[tilespmem:$0x1D400] =	vst v63  }
0x4c: {  	s18 =	simm.s32 $0x9400;
	s11 =	rddreg [dreg:$0xb]  }
0x4d: {  	[tilespmem:s18], [sflag:$0x1] =	stream.indirect.gather [hbm4b:s3+s5], $0x10, s11, s5, $0xb8;
	[tilespmem:$0x1D400] =	vst v63  }
0x4e: {  	s20 =	simm.s32 $0xA400;
	s10 =	rddreg [dreg:$0xc]  }
0x4f: {  	[tilespmem:s20], [sflag:$0x1] =	stream.indirect.gather [hbm4b:s3+s5], $0x10, s10, s5, $0xb8;
	[tilespmem:$0x1D400] =	vst v63  }
0x50: {  	s22 =	simm.s32 $0xB400;
	s11 =	rddreg [dreg:$0xd]  }
0x51: {  	[tilespmem:s22], [sflag:$0x1] =	stream.indirect.gather [hbm4b:s3+s5], $0x10, s11, s5, $0xb8;
	[tilespmem:$0x1D400] =	vst v63  }
0x52: {  	s26 =	simm.s32 $0xC400;
	s10 =	rddreg [dreg:$0xe]  }
0x53: {  	[tilespmem:s26], [sflag:$0x1] =	stream.indirect.gather [hbm4b:s3+s5], $0x10, s10, s5, $0xb8;
	[tilespmem:$0x1D400] =	vst v63  }
0x54: {  	s30 =	simm.s32 $0xD400;
	s11 =	rddreg [dreg:$0xf]  }
0x55: {  	[tilespmem:s30], [sflag:$0x1] =	stream.indirect.gather [hbm4b:s3+s5], $0x10, s11, s5, $0xb8;
	[tilespmem:$0x1D400] =	vst v63  }
0x56: {  	s25 =	simm.s32 $0xE400;
	s10 =	rddreg [dreg:$0x10]  }
0x57: {  	[tilespmem:s25], [sflag:$0x1] =	stream.indirect.gather [hbm4b:s3+s5], $0x10, s10, s5, $0xb8;
	[tilespmem:$0x1D400] =	vst v63  }
0x58: {  	s11 =	rddreg [dreg:$0x11]  }
0x59: {  	[tilespmem:s12], [sflag:$0x1] =	stream.indirect.gather [hbm4b:s3+s5], $0x10, s11, s5, $0xb8;
	[tilespmem:$0x1D400] =	vst v63  }
0x5a: {  	s7 =	simm.s32 $0x10400;
	s10 =	rddreg [dreg:$0x12]  }
0x5b: {  	[tilespmem:s7], [sflag:$0x1] =	stream.indirect.gather [hbm4b:s3+s5], $0x10, s10, s5, $0xb8;
	[tilespmem:$0x1D400] =	vst v63  }
0x5c: {  	s29 =	simm.s32 $0x11400;
	s11 =	rddreg [dreg:$0x13]  }
0x5d: {  	[tilespmem:s29], [sflag:$0x1] =	stream.indirect.gather [hbm4b:s3+s5], $0x10, s11, s5, $0xb8;
	[tilespmem:$0x1D400] =	vst v63  }
0x5e: {  	s19 =	simm.s32 $0x12400;
	s10 =	rddreg [dreg:$0x14]  }
0x5f: {  	[tilespmem:s19], [sflag:$0x1] =	stream.indirect.gather [hbm4b:s3+s5], $0x10, s10, s5, $0xb8;
	[tilespmem:$0x1D400] =	vst v63  }
0x60: {  	s15 =	simm.s32 $0x13400;
	s11 =	rddreg [dreg:$0x15]  }
0x61: {  	[tilespmem:s15], [sflag:$0x1] =	stream.indirect.gather [hbm4b:s3+s5], $0x10, s11, s5, $0xb8;
	[tilespmem:$0x1D400] =	vst v63  }
0x62: {  	s14 =	simm.s32 $0x14400;
	s19 =	rddreg [dreg:$0x16]  }
0x63: {  	[tilespmem:s14], [sflag:$0x1] =	stream.indirect.gather [hbm4b:s3+s5], $0x10, s19, s5, $0xb8;
	[tilespmem:$0x1D400] =	vst v63  }
0x64: {  	s15 =	rddreg [dreg:$0x17];
	s19 =	simm.s32 $0x15400  }
0x65: {  	[tilespmem:s19], [sflag:$0x1] =	stream.indirect.gather [hbm4b:s3+s5], $0x10, s15, s5, $0xb8;
	[tilespmem:$0x1D400] =	vst v63  }
0x66: {  	s14 =	rddreg [dreg:$0x18]  }
0x67: {  	[tilespmem:s1], [sflag:$0x1] =	stream.indirect.gather [hbm4b:s3+s5], $0x10, s14, s5, $0xb8;
	[tilespmem:$0x1D400] =	vst v63  }
0x68: {  	s15 =	rddreg [dreg:$0x19];
	s14 =	simm.s32 $0x17400  }
0x69: {  	[tilespmem:s14], [sflag:$0x1] =	stream.indirect.gather [hbm4b:s3+s5], $0x10, s15, s5, $0xb8;
	[tilespmem:$0x1D400] =	vst v63  }
0x6a: {  	s10 =	rddreg [dreg:$0x1a];
	s15 =	simm.s32 $0x18400  }
0x6b: {  	[tilespmem:s15], [sflag:$0x1] =	stream.indirect.gather [hbm4b:s3+s5], $0x10, s10, s5, $0xb8;
	[tilespmem:$0x1D400] =	vst v63  }
0x6c: {  	s2 =	simm.s32 $0x19400;
	s11 =	rddreg [dreg:$0x1b]  }
0x6d: {  	[tilespmem:s2], [sflag:$0x1] =	stream.indirect.gather [hbm4b:s3+s5], $0x10, s11, s5, $0xb8;
	[tilespmem:$0x1D400] =	vst v63  }
0x6e: {  	s9 =	simm.s32 $0x1A400;
	s10 =	rddreg [dreg:$0x1c]  }
0x6f: {  	[tilespmem:s9], [sflag:$0x1] =	stream.indirect.gather [hbm4b:s3+s5], $0x10, s10, s5, $0xb8;
	[tilespmem:$0x1D400] =	vst v63  }
0x70: {  	s21 =	simm.s32 $0x1B400;
	s11 =	rddreg [dreg:$0x1d]  }
0x71: {  	[tilespmem:s21], [sflag:$0x1] =	stream.indirect.gather [hbm4b:s3+s5], $0x10, s11, s5, $0xb8;
	[tilespmem:$0x1D400] =	vst v63  }
0x72: {  	s23 =	simm.s32 $0x1C400;
	s2 =	rddreg [dreg:$0x1e]  }
0x73: {  	[tilespmem:s23], [sflag:$0x1] =	stream.indirect.gather [hbm4b:s3+s5], $0x10, s2, s5, $0xb8;
	[tilespmem:$0x1D400] =	vst v63  }
0x74: {  	_ =	swait.ge [sflag:s8], $0xD000  }
0x75: {  	s6 =	simm.s32 $0x3400;
	[sflag:s8] =	ssyncset.done $0x0  }
0x76: {  	s24 =	simm.s32 $0x0;
	s9 =	rddreg [dreg:$0x3];
	[sflag:s8] =	ssyncadd.s32 $0xFFFF3000  }
0x77: {  	[hbm4b:s9+s24] =	stream.linear.scatter [tilespmem:s6], [sflag:$0x2], $0xD000, $0x38;
	[tilespmem:$0x1D400] =	vst v63  }
0x78: {  	_ =	swait.ge [sflag:s13], $0xD000  }
0x79: {  	s11 =	rddreg [dreg:$0x1f];
	[sflag:s13] =	ssyncset.done $0x0  }
0x7a: {  	s23 =	sld [smem:$0x7E5];
	[sflag:s13] =	ssyncadd.s32 $0xFFFF3000  }
0x7b: {  	[tilespmem:s6], [sflag:$0x1] =	stream.indirect.gather [hbm4b:s3+s5], $0x10, s11, s5, $0xb8;
	[tilespmem:$0x1D400] =	vst v63  }
0x7c: {  	s28 =	simm.s32 $0x4400;
	s24 =	sld [smem:$0x7E6]  }
0x7d: {  	[tilespmem:s28], [sflag:$0x1] =	stream.indirect.gather [hbm4b:s3+s5], $0x10, s23, s5, $0xb8;
	[tilespmem:$0x1D400] =	vst v63  }
0x7e: {  	s28 =	sld [smem:$0x7E7]  }
0x7f: {  	[tilespmem:s4], [sflag:$0x1] =	stream.indirect.gather [hbm4b:s3+s5], $0x10, s24, s5, $0xb8;
	[tilespmem:$0x1D400] =	vst v63  }
0x80: {  	s4 =	sld [smem:$0x7E8]  }
0x81: {  	[tilespmem:s31], [sflag:$0x1] =	stream.indirect.gather [hbm4b:s3+s5], $0x10, s28, s5, $0xb8;
	[tilespmem:$0x1D400] =	vst v63  }
0x82: {  	s6 =	sld [smem:$0x7E9]  }
0x83: {  	[tilespmem:s16], [sflag:$0x1] =	stream.indirect.gather [hbm4b:s3+s5], $0x10, s4, s5, $0xb8;
	[tilespmem:$0x1D400] =	vst v63  }
0x84: {  	s9 =	sld [smem:$0x7EA]  }
0x85: {  	[tilespmem:s17], [sflag:$0x1] =	stream.indirect.gather [hbm4b:s3+s5], $0x10, s6, s5, $0xb8;
	[tilespmem:$0x1D400] =	vst v63  }
0x86: {  	s16 =	sld [smem:$0x7EB]  }
0x87: {  	[tilespmem:s18], [sflag:$0x1] =	stream.indirect.gather [hbm4b:s3+s5], $0x10, s9, s5, $0xb8;
	[tilespmem:$0x1D400] =	vst v63  }
0x88: {  	s17 =	sld [smem:$0x7EC]  }
0x89: {  	[tilespmem:s20], [sflag:$0x1] =	stream.indirect.gather [hbm4b:s3+s5], $0x10, s16, s5, $0xb8;
	[tilespmem:$0x1D400] =	vst v63  }
0x8a: {  	s18 =	sld [smem:$0x7ED]  }
0x8b: {  	[tilespmem:s22], [sflag:$0x1] =	stream.indirect.gather [hbm4b:s3+s5], $0x10, s17, s5, $0xb8;
	[tilespmem:$0x1D400] =	vst v63  }
0x8c: {  	s20 =	sld [smem:$0x7EE]  }
0x8d: {  	[tilespmem:s26], [sflag:$0x1] =	stream.indirect.gather [hbm4b:s3+s5], $0x10, s18, s5, $0xb8;
	[tilespmem:$0x1D400] =	vst v63  }
0x8e: {  	s22 =	sld [smem:$0x7EF]  }
0x8f: {  	[tilespmem:s30], [sflag:$0x1] =	stream.indirect.gather [hbm4b:s3+s5], $0x10, s20, s5, $0xb8;
	[tilespmem:$0x1D400] =	vst v63  }
0x90: {  	s23 =	sld [smem:$0x7F0]  }
0x91: {  	[tilespmem:s25], [sflag:$0x1] =	stream.indirect.gather [hbm4b:s3+s5], $0x10, s22, s5, $0xb8;
	[tilespmem:$0x1D400] =	vst v63  }
0x92: {  	_ = 	snop  }
0x93: {  	[tilespmem:s12], [sflag:$0x1] =	stream.indirect.gather [hbm4b:s3+s5], $0x10, s23, s5, $0xb8;
	[tilespmem:$0x1D400] =	vst v63  }
0x94: {  	_ =	swait.ge [sflag:s8], $0xD000  }
0x95: {  	[sflag:s8] =	ssyncset.done $0x0  }
0x96: {  	s2 =	simm.s32 $0x0;
	s24 =	rddreg [dreg:$0x4];
	[sflag:s8] =	ssyncadd.s32 $0xFFFF3000  }
0x97: {  	[hbm4b:s24+s2] =	stream.linear.scatter [tilespmem:s7], [sflag:$0x2], $0xD000, $0x38;
	[tilespmem:$0x1D400] =	vst v63  }
0x98: {  	_ =	swait.ge [sflag:s13], $0xD000  }
0x99: {  	s25 =	sld [smem:$0x7F1]  }
0x9a: {  	[sflag:s13] =	ssyncset.done $0x0  }
0x9b: {  	s26 =	sld [smem:$0x7F2];
	[sflag:s13] =	ssyncadd.s32 $0xFFFF3000  }
0x9c: {  	[tilespmem:s7], [sflag:$0x1] =	stream.indirect.gather [hbm4b:s3+s5], $0x10, s25, s5, $0xb8;
	[tilespmem:$0x1D400] =	vst v63  }
0x9d: {  	s28 =	sld [smem:$0x7F3]  }
0x9e: {  	[tilespmem:s29], [sflag:$0x1] =	stream.indirect.gather [hbm4b:s3+s5], $0x10, s26, s5, $0xb8;
	[tilespmem:$0x1D400] =	vst v63  }
0x9f: {  	s31 =	simm.s32 $0x12400;
	s30 =	sld [smem:$0x7F4]  }
0xa0: {  	[tilespmem:s31], [sflag:$0x1] =	stream.indirect.gather [hbm4b:s3+s5], $0x10, s28, s5, $0xb8;
	[tilespmem:$0x1D400] =	vst v63  }
0xa1: {  	s12 =	simm.s32 $0x13400;
	s6 =	sld [smem:$0x7F5]  }
0xa2: {  	[tilespmem:s12], [sflag:$0x1] =	stream.indirect.gather [hbm4b:s3+s5], $0x10, s30, s5, $0xb8;
	[tilespmem:$0x1D400] =	vst v63  }
0xa3: {  	s17 =	simm.s32 $0x14400;
	s16 =	sld [smem:$0x7F6]  }
0xa4: {  	[tilespmem:s17], [sflag:$0x1] =	stream.indirect.gather [hbm4b:s3+s5], $0x10, s6, s5, $0xb8;
	[tilespmem:$0x1D400] =	vst v63  }
0xa5: {  	s18 =	sld [smem:$0x7F7]  }
0xa6: {  	[tilespmem:s19], [sflag:$0x1] =	stream.indirect.gather [hbm4b:s3+s5], $0x10, s16, s5, $0xb8;
	[tilespmem:$0x1D400] =	vst v63  }
0xa7: {  	s19 =	sld [smem:$0x7F8]  }
0xa8: {  	[tilespmem:s1], [sflag:$0x1] =	stream.indirect.gather [hbm4b:s3+s5], $0x10, s18, s5, $0xb8;
	[tilespmem:$0x1D400] =	vst v63  }
0xa9: {  	s20 =	sld [smem:$0x7F9]  }
0xaa: {  	[tilespmem:s14], [sflag:$0x1] =	stream.indirect.gather [hbm4b:s3+s5], $0x10, s19, s5, $0xb8;
	[tilespmem:$0x1D400] =	vst v63  }
0xab: {  	s22 =	sld [smem:$0x7FA]  }
0xac: {  	[tilespmem:s15], [sflag:$0x1] =	stream.indirect.gather [hbm4b:s3+s5], $0x10, s20, s5, $0xb8;
	[tilespmem:$0x1D400] =	vst v63  }
0xad: {  	s24 =	simm.s32 $0x19400;
	s23 =	sld [smem:$0x7FB]  }
0xae: {  	[tilespmem:s24], [sflag:$0x1] =	stream.indirect.gather [hbm4b:s3+s5], $0x10, s22, s5, $0xb8;
	[tilespmem:$0x1D400] =	vst v63  }
0xaf: {  	s25 =	sld [smem:$0x7FC];
	s26 =	simm.s32 $0x1A400  }
0xb0: {  	[tilespmem:s26], [sflag:$0x1] =	stream.indirect.gather [hbm4b:s3+s5], $0x10, s23, s5, $0xb8;
	[tilespmem:$0x1D400] =	vst v63  }
0xb1: {  	s29 =	simm.s32 $0x1B400;
	s28 =	sld [smem:$0x7FD]  }
0xb2: {  	[tilespmem:s29], [sflag:$0x1] =	stream.indirect.gather [hbm4b:s3+s5], $0x10, s25, s5, $0xb8;
	[tilespmem:$0x1D400] =	vst v63  }
0xb3: {  	s21 =	simm.s32 $0x1C400  }
0xb4: {  	[tilespmem:s21], [sflag:$0x1] =	stream.indirect.gather [hbm4b:s3+s5], $0x10, s28, s5, $0xb8;
	[tilespmem:$0x1D400] =	vst v63  }
0xb5: {  	_ =	swait.ge [sflag:s8], $0xD000  }
0xb6: {  	[sflag:s8] =	ssyncset.done $0x0  }
0xb7: {  	s9 =	simm.s32 $0x3400;
	s30 =	rddreg [dreg:$0x5];
	[sflag:s8] =	ssyncadd.s32 $0xFFFF3000  }
0xb8: {  	[hbm4b:s30+s2] =	stream.linear.scatter [tilespmem:s9], [sflag:$0x2], $0xD000, $0x38;
	[tilespmem:$0x1D400] =	vst v63  }
0xb9: {  	_ =	swait.ge [sflag:s8], $0xD000  }
0xba: {  	[sflag:s8] =	ssyncset.done $0x0  }
0xbb: {  	p1 =	sne.s32 s0, $0x1;
	s31 =	rddreg [dreg:$0x6];
	[sflag:s8] =	ssyncadd.s32 $0xFFFF3000  }
0xbc: {  	[hbm4b:s31+s2] =	stream.linear.scatter [tilespmem:s7], [sflag:$0x2], $0xD000, $0x38;
	[tilespmem:$0x1D400] =	vst v63  }
.Ltmp1:
0xbd: {  	_ =	swait.ge [sflag:s13], $0xD000;
	(pc) =	sbr.rel @!p1 .LBB2_7-.Ltmp1, $4  }
0xbe: {  	[sflag:s13] =	ssyncset.done $0x0  }
0xbf: {  	[sflag:s13] =	ssyncadd.s32 $0xFFFF3000  }
0xc0: {  	p0 =	por $0x1, $0x1;
	s10 =	sadd.s32 $0xFFFFFFFF, s0;
	_ =	swait.ge [sflag:s13], $0xD000  }
0xc1: {  	s0 =	simm.s32 $0x10400;
	s11 =	rddreg [dreg:$0x2];
	[sflag:s13] =	ssyncset.done $0x0  }
0xc2: {  	s4 =	simm.s32 $0x5400;
	s14 =	simm.s32 $0x6400  }
0xc3: {  	s17 =	simm.s32 $0x7400;
	s18 =	simm.s32 $0x8400;
	s19 =	simm.s32 $0x9400  }
0xc4: {  	s21 =	simm.s32 $0xA400;
	s23 =	simm.s32 $0xB400;
	s28 =	simm.s32 $0xC400  }
0xc5: {  	s31 =	simm.s32 $0xD400;
	s6 =	simm.s32 $0x3400;
	s7 =	simm.s32 $0xF400  }
0xc6: {  	s20 =	simm.s32 $0x11400;
	s22 =	simm.s32 $0x12400;
	s24 =	simm.s32 $0x13400  }
0xc7: {  	s29 =	simm.s32 $0x14400;
	s15 =	simm.s32 $0x17400;
	s16 =	simm.s32 $0x18400  }
0xc8: {  	s30 =	simm.s32 $0x1A400;
	s25 =	simm.s32 $0x1B400;
	s26 =	simm.s32 $0x1C400  }
.LBB2_4:
0xc9: {  	[sflag:s13] =	ssyncadd.s32 $0xFFFF3000;
	s1 =	simm.s32 $0x3  }
0xca: {  	[tilespmem:s2], [sflag:$0x3] =	stream.linear.gather [hbm4b:s11+s2], $0x3400, $0x38;
	[tilespmem:$0x1D400] =	vst v63  }
0xcb: {  	_ =	swait.ge [sflag:s1], $0x3400  }
0xcc: {  	[sflag:s1] =	ssyncset.done $0x0  }
0xcd: {  	[sflag:s1] =	ssyncadd.s32 $0xFFFFCC00  }
0xce: {  	[tilespmem:s9], [sflag:$0x1] =	stream.indirect.gather [hbm4b:s3+s5], $0x10, s2, s5, $0xb8;
	[tilespmem:$0x1D400] =	vst v63  }
0xcf: {  	s2 =	simm.s32 $0x4400  }
0xd0: {  	[tilespmem:s2], [sflag:$0x1] =	stream.indirect.gather [hbm4b:s3+s5], $0x10, s5, s5, $0xb8;
	[tilespmem:$0x1D400] =	vst v63  }
0xd1: {  	s1 =	rddreg [dreg:$0x7]  }
0xd2: {  	[tilespmem:s4], [sflag:$0x1] =	stream.indirect.gather [hbm4b:s3+s5], $0x10, s1, s5, $0xb8;
	[tilespmem:$0x1D400] =	vst v63  }
0xd3: {  	s12 =	rddreg [dreg:$0x8]  }
0xd4: {  	[tilespmem:s14], [sflag:$0x1] =	stream.indirect.gather [hbm4b:s3+s5], $0x10, s12, s5, $0xb8;
	[tilespmem:$0x1D400] =	vst v63  }
0xd5: {  	s9 =	rddreg [dreg:$0x9]  }
0xd6: {  	[tilespmem:s17], [sflag:$0x1] =	stream.indirect.gather [hbm4b:s3+s5], $0x10, s9, s5, $0xb8;
	[tilespmem:$0x1D400] =	vst v63  }
0xd7: {  	s1 =	rddreg [dreg:$0xa]  }
0xd8: {  	[tilespmem:s18], [sflag:$0x1] =	stream.indirect.gather [hbm4b:s3+s5], $0x10, s1, s5, $0xb8;
	[tilespmem:$0x1D400] =	vst v63  }
0xd9: {  	s9 =	rddreg [dreg:$0xb]  }
0xda: {  	[tilespmem:s19], [sflag:$0x1] =	stream.indirect.gather [hbm4b:s3+s5], $0x10, s9, s5, $0xb8;
	[tilespmem:$0x1D400] =	vst v63  }
0xdb: {  	s1 =	rddreg [dreg:$0xc]  }
0xdc: {  	[tilespmem:s21], [sflag:$0x1] =	stream.indirect.gather [hbm4b:s3+s5], $0x10, s1, s5, $0xb8;
	[tilespmem:$0x1D400] =	vst v63  }
0xdd: {  	s9 =	rddreg [dreg:$0xd]  }
0xde: {  	[tilespmem:s23], [sflag:$0x1] =	stream.indirect.gather [hbm4b:s3+s5], $0x10, s9, s5, $0xb8;
	[tilespmem:$0x1D400] =	vst v63  }
0xdf: {  	s1 =	rddreg [dreg:$0xe]  }
0xe0: {  	[tilespmem:s28], [sflag:$0x1] =	stream.indirect.gather [hbm4b:s3+s5], $0x10, s1, s5, $0xb8;
	[tilespmem:$0x1D400] =	vst v63  }
0xe1: {  	s9 =	rddreg [dreg:$0xf]  }
0xe2: {  	[tilespmem:s31], [sflag:$0x1] =	stream.indirect.gather [hbm4b:s3+s5], $0x10, s9, s5, $0xb8;
	[tilespmem:$0x1D400] =	vst v63  }
0xe3: {  	s1 =	rddreg [dreg:$0x10];
	s9 =	simm.s32 $0xE400  }
0xe4: {  	[tilespmem:s9], [sflag:$0x1] =	stream.indirect.gather [hbm4b:s3+s5], $0x10, s1, s5, $0xb8;
	[tilespmem:$0x1D400] =	vst v63  }
0xe5: {  	s11 =	rddreg [dreg:$0x11]  }
0xe6: {  	[tilespmem:s7], [sflag:$0x1] =	stream.indirect.gather [hbm4b:s3+s5], $0x10, s11, s5, $0xb8;
	[tilespmem:$0x1D400] =	vst v63  }
0xe7: {  	s1 =	rddreg [dreg:$0x12]  }
0xe8: {  	[tilespmem:s0], [sflag:$0x1] =	stream.indirect.gather [hbm4b:s3+s5], $0x10, s1, s5, $0xb8;
	[tilespmem:$0x1D400] =	vst v63  }
0xe9: {  	s11 =	rddreg [dreg:$0x13]  }
0xea: {  	[tilespmem:s20], [sflag:$0x1] =	stream.indirect.gather [hbm4b:s3+s5], $0x10, s11, s5, $0xb8;
	[tilespmem:$0x1D400] =	vst v63  }
0xeb: {  	s1 =	rddreg [dreg:$0x14]  }
0xec: {  	[tilespmem:s22], [sflag:$0x1] =	stream.indirect.gather [hbm4b:s3+s5], $0x10, s1, s5, $0xb8;
	[tilespmem:$0x1D400] =	vst v63  }
0xed: {  	s0 =	rddreg [dreg:$0x15]  }
0xee: {  	[tilespmem:s24], [sflag:$0x1] =	stream.indirect.gather [hbm4b:s3+s5], $0x10, s0, s5, $0xb8;
	[tilespmem:$0x1D400] =	vst v63  }
0xef: {  	s1 =	rddreg [dreg:$0x16]  }
0xf0: {  	[tilespmem:s29], [sflag:$0x1] =	stream.indirect.gather [hbm4b:s3+s5], $0x10, s1, s5, $0xb8;
	[tilespmem:$0x1D400] =	vst v63  }
0xf1: {  	s0 =	rddreg [dreg:$0x17];
	s1 =	simm.s32 $0x15400  }
0xf2: {  	[tilespmem:s1], [sflag:$0x1] =	stream.indirect.gather [hbm4b:s3+s5], $0x10, s0, s5, $0xb8;
	[tilespmem:$0x1D400] =	vst v63  }
0xf3: {  	s12 =	rddreg [dreg:$0x18];
	s1 =	simm.s32 $0x16400  }
0xf4: {  	[tilespmem:s1], [sflag:$0x1] =	stream.indirect.gather [hbm4b:s3+s5], $0x10, s12, s5, $0xb8;
	[tilespmem:$0x1D400] =	vst v63  }
0xf5: {  	s11 =	rddreg [dreg:$0x19]  }
0xf6: {  	[tilespmem:s15], [sflag:$0x1] =	stream.indirect.gather [hbm4b:s3+s5], $0x10, s11, s5, $0xb8;
	[tilespmem:$0x1D400] =	vst v63  }
0xf7: {  	s1 =	rddreg [dreg:$0x1a]  }
0xf8: {  	[tilespmem:s16], [sflag:$0x1] =	stream.indirect.gather [hbm4b:s3+s5], $0x10, s1, s5, $0xb8;
	[tilespmem:$0x1D400] =	vst v63  }
0xf9: {  	s0 =	simm.s32 $0x19400;
	s11 =	rddreg [dreg:$0x1b]  }
0xfa: {  	[tilespmem:s0], [sflag:$0x1] =	stream.indirect.gather [hbm4b:s3+s5], $0x10, s11, s5, $0xb8;
	[tilespmem:$0x1D400] =	vst v63  }
0xfb: {  	s12 =	rddreg [dreg:$0x1c]  }
0xfc: {  	[tilespmem:s30], [sflag:$0x1] =	stream.indirect.gather [hbm4b:s3+s5], $0x10, s12, s5, $0xb8;
	[tilespmem:$0x1D400] =	vst v63  }
0xfd: {  	s11 =	rddreg [dreg:$0x1d]  }
0xfe: {  	[tilespmem:s25], [sflag:$0x1] =	stream.indirect.gather [hbm4b:s3+s5], $0x10, s11, s5, $0xb8;
	[tilespmem:$0x1D400] =	vst v63  }
0xff: {  	s12 =	rddreg [dreg:$0x1e]  }
0x100: {  	[tilespmem:s26], [sflag:$0x1] =	stream.indirect.gather [hbm4b:s3+s5], $0x10, s12, s5, $0xb8;
	[tilespmem:$0x1D400] =	vst v63  }
0x101: {  	_ =	swait.ge [sflag:s8], $0xD000  }
0x102: {  	[sflag:s8] =	ssyncset.done $0x0  }
0x103: {  	s12 =	simm.s32 $0x0;
	s11 =	rddreg [dreg:$0x3];
	[sflag:s8] =	ssyncadd.s32 $0xFFFF3000  }
0x104: {  	[hbm4b:s11+s12] =	stream.linear.scatter [tilespmem:s6], [sflag:$0x2], $0xD000, $0x38;
	[tilespmem:$0x1D400] =	vst v63  }
0x105: {  	_ =	swait.ge [sflag:s13], $0xD000  }
0x106: {  	s11 =	rddreg [dreg:$0x1f];
	[sflag:s13] =	ssyncset.done $0x0  }
0x107: {  	s12 =	sld [smem:$0x7E5];
	[sflag:s13] =	ssyncadd.s32 $0xFFFF3000  }
0x108: {  	[tilespmem:s6], [sflag:$0x1] =	stream.indirect.gather [hbm4b:s3+s5], $0x10, s11, s5, $0xb8;
	[tilespmem:$0x1D400] =	vst v63  }
0x109: {  	s11 =	sld [smem:$0x7E6]  }
0x10a: {  	[tilespmem:s2], [sflag:$0x1] =	stream.indirect.gather [hbm4b:s3+s5], $0x10, s12, s5, $0xb8;
	[tilespmem:$0x1D400] =	vst v63  }
0x10b: {  	s12 =	sld [smem:$0x7E7]  }
0x10c: {  	[tilespmem:s4], [sflag:$0x1] =	stream.indirect.gather [hbm4b:s3+s5], $0x10, s11, s5, $0xb8;
	[tilespmem:$0x1D400] =	vst v63  }
0x10d: {  	s11 =	sld [smem:$0x7E8]  }
0x10e: {  	[tilespmem:s14], [sflag:$0x1] =	stream.indirect.gather [hbm4b:s3+s5], $0x10, s12, s5, $0xb8;
	[tilespmem:$0x1D400] =	vst v63  }
0x10f: {  	s12 =	sld [smem:$0x7E9]  }
0x110: {  	[tilespmem:s17], [sflag:$0x1] =	stream.indirect.gather [hbm4b:s3+s5], $0x10, s11, s5, $0xb8;
	[tilespmem:$0x1D400] =	vst v63  }
0x111: {  	s11 =	sld [smem:$0x7EA]  }
0x112: {  	[tilespmem:s18], [sflag:$0x1] =	stream.indirect.gather [hbm4b:s3+s5], $0x10, s12, s5, $0xb8;
	[tilespmem:$0x1D400] =	vst v63  }
0x113: {  	s12 =	sld [smem:$0x7EB]  }
0x114: {  	[tilespmem:s19], [sflag:$0x1] =	stream.indirect.gather [hbm4b:s3+s5], $0x10, s11, s5, $0xb8;
	[tilespmem:$0x1D400] =	vst v63  }
0x115: {  	s11 =	sld [smem:$0x7EC]  }
0x116: {  	[tilespmem:s21], [sflag:$0x1] =	stream.indirect.gather [hbm4b:s3+s5], $0x10, s12, s5, $0xb8;
	[tilespmem:$0x1D400] =	vst v63  }
0x117: {  	s12 =	sld [smem:$0x7ED]  }
0x118: {  	[tilespmem:s23], [sflag:$0x1] =	stream.indirect.gather [hbm4b:s3+s5], $0x10, s11, s5, $0xb8;
	[tilespmem:$0x1D400] =	vst v63  }
0x119: {  	s11 =	sld [smem:$0x7EE]  }
0x11a: {  	[tilespmem:s28], [sflag:$0x1] =	stream.indirect.gather [hbm4b:s3+s5], $0x10, s12, s5, $0xb8;
	[tilespmem:$0x1D400] =	vst v63  }
0x11b: {  	s12 =	sld [smem:$0x7EF]  }
0x11c: {  	[tilespmem:s31], [sflag:$0x1] =	stream.indirect.gather [hbm4b:s3+s5], $0x10, s11, s5, $0xb8;
	[tilespmem:$0x1D400] =	vst v63  }
0x11d: {  	s11 =	sld [smem:$0x7F0]  }
0x11e: {  	[tilespmem:s9], [sflag:$0x1] =	stream.indirect.gather [hbm4b:s3+s5], $0x10, s12, s5, $0xb8;
	[tilespmem:$0x1D400] =	vst v63  }
0x11f: {  	_ = 	snop  }
0x120: {  	[tilespmem:s7], [sflag:$0x1] =	stream.indirect.gather [hbm4b:s3+s5], $0x10, s11, s5, $0xb8;
	[tilespmem:$0x1D400] =	vst v63  }
0x121: {  	_ =	swait.ge [sflag:s8], $0xD000  }
0x122: {  	s1 =	simm.s32 $0x10400;
	[sflag:s8] =	ssyncset.done $0x0  }
0x123: {  	s2 =	simm.s32 $0x0;
	s12 =	rddreg [dreg:$0x4];
	[sflag:s8] =	ssyncadd.s32 $0xFFFF3000  }
0x124: {  	[hbm4b:s12+s2] =	stream.linear.scatter [tilespmem:s1], [sflag:$0x2], $0xD000, $0x38;
	[tilespmem:$0x1D400] =	vst v63  }
0x125: {  	_ =	swait.ge [sflag:s13], $0xD000  }
0x126: {  	s11 =	sld [smem:$0x7F1]  }
0x127: {  	[sflag:s13] =	ssyncset.done $0x0  }
0x128: {  	s12 =	sld [smem:$0x7F2];
	[sflag:s13] =	ssyncadd.s32 $0xFFFF3000  }
0x129: {  	[tilespmem:s1], [sflag:$0x1] =	stream.indirect.gather [hbm4b:s3+s5], $0x10, s11, s5, $0xb8;
	[tilespmem:$0x1D400] =	vst v63  }
0x12a: {  	s1 =	sld [smem:$0x7F3]  }
0x12b: {  	[tilespmem:s20], [sflag:$0x1] =	stream.indirect.gather [hbm4b:s3+s5], $0x10, s12, s5, $0xb8;
	[tilespmem:$0x1D400] =	vst v63  }
0x12c: {  	s12 =	sld [smem:$0x7F4]  }
0x12d: {  	[tilespmem:s22], [sflag:$0x1] =	stream.indirect.gather [hbm4b:s3+s5], $0x10, s1, s5, $0xb8;
	[tilespmem:$0x1D400] =	vst v63  }
0x12e: {  	s1 =	sld [smem:$0x7F5]  }
0x12f: {  	[tilespmem:s24], [sflag:$0x1] =	stream.indirect.gather [hbm4b:s3+s5], $0x10, s12, s5, $0xb8;
	[tilespmem:$0x1D400] =	vst v63  }
0x130: {  	s12 =	sld [smem:$0x7F6]  }
0x131: {  	[tilespmem:s29], [sflag:$0x1] =	stream.indirect.gather [hbm4b:s3+s5], $0x10, s1, s5, $0xb8;
	[tilespmem:$0x1D400] =	vst v63  }
0x132: {  	s11 =	sld [smem:$0x7F7];
	s1 =	simm.s32 $0x15400  }
0x133: {  	[tilespmem:s1], [sflag:$0x1] =	stream.indirect.gather [hbm4b:s3+s5], $0x10, s12, s5, $0xb8;
	[tilespmem:$0x1D400] =	vst v63  }
0x134: {  	s12 =	sld [smem:$0x7F8];
	s1 =	simm.s32 $0x16400  }
0x135: {  	[tilespmem:s1], [sflag:$0x1] =	stream.indirect.gather [hbm4b:s3+s5], $0x10, s11, s5, $0xb8;
	[tilespmem:$0x1D400] =	vst v63  }
0x136: {  	s1 =	sld [smem:$0x7F9]  }
0x137: {  	[tilespmem:s15], [sflag:$0x1] =	stream.indirect.gather [hbm4b:s3+s5], $0x10, s12, s5, $0xb8;
	[tilespmem:$0x1D400] =	vst v63  }
0x138: {  	s12 =	sld [smem:$0x7FA]  }
0x139: {  	[tilespmem:s16], [sflag:$0x1] =	stream.indirect.gather [hbm4b:s3+s5], $0x10, s1, s5, $0xb8;
	[tilespmem:$0x1D400] =	vst v63  }
0x13a: {  	s1 =	sld [smem:$0x7FB]  }
0x13b: {  	[tilespmem:s0], [sflag:$0x1] =	stream.indirect.gather [hbm4b:s3+s5], $0x10, s12, s5, $0xb8;
	[tilespmem:$0x1D400] =	vst v63  }
0x13c: {  	s12 =	sld [smem:$0x7FC]  }
0x13d: {  	[tilespmem:s30], [sflag:$0x1] =	stream.indirect.gather [hbm4b:s3+s5], $0x10, s1, s5, $0xb8;
	[tilespmem:$0x1D400] =	vst v63  }
0x13e: {  	s1 =	sld [smem:$0x7FD]  }
0x13f: {  	[tilespmem:s25], [sflag:$0x1] =	stream.indirect.gather [hbm4b:s3+s5], $0x10, s12, s5, $0xb8;
	[tilespmem:$0x1D400] =	vst v63  }
0x140: {  	_ = 	snop  }
0x141: {  	[tilespmem:s26], [sflag:$0x1] =	stream.indirect.gather [hbm4b:s3+s5], $0x10, s1, s5, $0xb8;
	[tilespmem:$0x1D400] =	vst v63  }
0x142: {  	_ =	swait.ge [sflag:s8], $0xD000  }
0x143: {  	[sflag:s8] =	ssyncset.done $0x0  }
0x144: {  	s9 =	simm.s32 $0x3400;
	s1 =	rddreg [dreg:$0x5];
	[sflag:s8] =	ssyncadd.s32 $0xFFFF3000  }
0x145: {  	[hbm4b:s1+s2] =	stream.linear.scatter [tilespmem:s9], [sflag:$0x2], $0xD000, $0x38;
	[tilespmem:$0x1D400] =	vst v63  }
0x146: {  	_ =	swait.ge [sflag:s8], $0xD000  }
0x147: {  	p1 =	sne.s32 s10, $0x1;
	[sflag:s8] =	ssyncset.done $0x0  }
0x148: {  	s0 =	simm.s32 $0x10400;
	s12 =	rddreg [dreg:$0x6];
	[sflag:s8] =	ssyncadd.s32 $0xFFFF3000  }
0x149: {  	[hbm4b:s12+s2] =	stream.linear.scatter [tilespmem:s0], [sflag:$0x2], $0xD000, $0x38;
	[tilespmem:$0x1D400] =	vst v63  }
.Ltmp2:
0x14a: {  	_ =	swait.ge [sflag:s13], $0xD000;
	(pc) =	sbr.rel @p1 .LBB2_4-.Ltmp2, $4  }
0x14b: {  	[sflag:s13] =	ssyncset.done $0x0  }
0x14c: {  	[sflag:s13] =	ssyncadd.s32 $0xFFFF3000  }
0x14d: {  	_ =	swait.ge [sflag:s13], $0xD000  }
0x14e: {  	s10 =	sadd.s32 $0xFFFFFFFF, s10;
	s11 =	rddreg [dreg:$0x2];
	[sflag:s13] =	ssyncset.done $0x0  }
0x14f: {  	s10 =	simm.s32 $0x4400  }
0x150: {  	s7 =	simm.s32 $0x5400;
	s14 =	simm.s32 $0x6400;
	s15 =	simm.s32 $0x7400  }
0x151: {  	s16 =	simm.s32 $0x8400;
	s17 =	simm.s32 $0x9400;
	s18 =	simm.s32 $0x11400  }
0x152: {  	s19 =	simm.s32 $0xA400;
	s20 =	simm.s32 $0x12400;
	s21 =	simm.s32 $0xB400  }
0x153: {  	s22 =	simm.s32 $0x13400;
	s23 =	simm.s32 $0x1B400;
	s24 =	simm.s32 $0x1C400  }
0x154: {  	s25 =	simm.s32 $0xC400;
	s26 =	simm.s32 $0x14400;
	s28 =	simm.s32 $0x1A400  }
0x155: {  	s29 =	simm.s32 $0xD400;
	s30 =	simm.s32 $0x19400;
	s31 =	simm.s32 $0xE400  }
0x156: {  	s12 =	simm.s32 $0xF400;
	s1 =	simm.s32 $0x16400;
	s4 =	simm.s32 $0x3  }
.LBB2_6:
0x157: {  	[sflag:s13] =	ssyncadd.s32 @p0 $0xFFFF3000  }
0x158: {  	[tilespmem:s2], [sflag:$0x3] =	stream.linear.gather [hbm4b:s11+s2], $0x3400, $0x38;
	[tilespmem:$0x1D400] =	vst v63  }
0x159: {  	_ =	swait.ge [sflag:s4], $0x3400  }
0x15a: {  	[sflag:s4] =	ssyncset.done $0x0  }
0x15b: {  	[sflag:s4] =	ssyncadd.s32 $0xFFFFCC00  }
0x15c: {  	[tilespmem:s9], [sflag:$0x1] =	stream.indirect.gather [hbm4b:s3+s5], $0x10, s2, s5, $0xb8;
	[tilespmem:$0x1D400] =	vst v63  }
0x15d: {  	_ = 	snop  }
0x15e: {  	[tilespmem:s10], [sflag:$0x1] =	stream.indirect.gather [hbm4b:s3+s5], $0x10, s5, s5, $0xb8;
	[tilespmem:$0x1D400] =	vst v63  }
0x15f: {  	s4 =	rddreg [dreg:$0x7]  }
0x160: {  	[tilespmem:s7], [sflag:$0x1] =	stream.indirect.gather [hbm4b:s3+s5], $0x10, s4, s5, $0xb8;
	[tilespmem:$0x1D400] =	vst v63  }
0x161: {  	s6 =	rddreg [dreg:$0x8]  }
0x162: {  	[tilespmem:s14], [sflag:$0x1] =	stream.indirect.gather [hbm4b:s3+s5], $0x10, s6, s5, $0xb8;
	[tilespmem:$0x1D400] =	vst v63  }
0x163: {  	s11 =	rddreg [dreg:$0x9]  }
0x164: {  	[tilespmem:s15], [sflag:$0x1] =	stream.indirect.gather [hbm4b:s3+s5], $0x10, s11, s5, $0xb8;
	[tilespmem:$0x1D400] =	vst v63  }
0x165: {  	s4 =	rddreg [dreg:$0xa]  }
0x166: {  	[tilespmem:s16], [sflag:$0x1] =	stream.indirect.gather [hbm4b:s3+s5], $0x10, s4, s5, $0xb8;
	[tilespmem:$0x1D400] =	vst v63  }
0x167: {  	s6 =	rddreg [dreg:$0xb]  }
0x168: {  	[tilespmem:s17], [sflag:$0x1] =	stream.indirect.gather [hbm4b:s3+s5], $0x10, s6, s5, $0xb8;
	[tilespmem:$0x1D400] =	vst v63  }
0x169: {  	s11 =	rddreg [dreg:$0xc]  }
0x16a: {  	[tilespmem:s19], [sflag:$0x1] =	stream.indirect.gather [hbm4b:s3+s5], $0x10, s11, s5, $0xb8;
	[tilespmem:$0x1D400] =	vst v63  }
0x16b: {  	s4 =	rddreg [dreg:$0xd]  }
0x16c: {  	[tilespmem:s21], [sflag:$0x1] =	stream.indirect.gather [hbm4b:s3+s5], $0x10, s4, s5, $0xb8;
	[tilespmem:$0x1D400] =	vst v63  }
0x16d: {  	s6 =	rddreg [dreg:$0xe]  }
0x16e: {  	[tilespmem:s25], [sflag:$0x1] =	stream.indirect.gather [hbm4b:s3+s5], $0x10, s6, s5, $0xb8;
	[tilespmem:$0x1D400] =	vst v63  }
0x16f: {  	s11 =	rddreg [dreg:$0xf]  }
0x170: {  	[tilespmem:s29], [sflag:$0x1] =	stream.indirect.gather [hbm4b:s3+s5], $0x10, s11, s5, $0xb8;
	[tilespmem:$0x1D400] =	vst v63  }
0x171: {  	s4 =	rddreg [dreg:$0x10]  }
0x172: {  	[tilespmem:s31], [sflag:$0x1] =	stream.indirect.gather [hbm4b:s3+s5], $0x10, s4, s5, $0xb8;
	[tilespmem:$0x1D400] =	vst v63  }
0x173: {  	s6 =	rddreg [dreg:$0x11]  }
0x174: {  	[tilespmem:s12], [sflag:$0x1] =	stream.indirect.gather [hbm4b:s3+s5], $0x10, s6, s5, $0xb8;
	[tilespmem:$0x1D400] =	vst v63  }
0x175: {  	s11 =	rddreg [dreg:$0x12]  }
0x176: {  	[tilespmem:s0], [sflag:$0x1] =	stream.indirect.gather [hbm4b:s3+s5], $0x10, s11, s5, $0xb8;
	[tilespmem:$0x1D400] =	vst v63  }
0x177: {  	s12 =	rddreg [dreg:$0x13]  }
0x178: {  	[tilespmem:s18], [sflag:$0x1] =	stream.indirect.gather [hbm4b:s3+s5], $0x10, s12, s5, $0xb8;
	[tilespmem:$0x1D400] =	vst v63  }
0x179: {  	s4 =	rddreg [dreg:$0x14]  }
0x17a: {  	[tilespmem:s20], [sflag:$0x1] =	stream.indirect.gather [hbm4b:s3+s5], $0x10, s4, s5, $0xb8;
	[tilespmem:$0x1D400] =	vst v63  }
0x17b: {  	s6 =	rddreg [dreg:$0x15]  }
0x17c: {  	[tilespmem:s22], [sflag:$0x1] =	stream.indirect.gather [hbm4b:s3+s5], $0x10, s6, s5, $0xb8;
	[tilespmem:$0x1D400] =	vst v63  }
0x17d: {  	s11 =	rddreg [dreg:$0x16]  }
0x17e: {  	[tilespmem:s26], [sflag:$0x1] =	stream.indirect.gather [hbm4b:s3+s5], $0x10, s11, s5, $0xb8;
	[tilespmem:$0x1D400] =	vst v63  }
0x17f: {  	s0 =	simm.s32 $0x15400;
	s12 =	rddreg [dreg:$0x17]  }
0x180: {  	[tilespmem:s0], [sflag:$0x1] =	stream.indirect.gather [hbm4b:s3+s5], $0x10, s12, s5, $0xb8;
	[tilespmem:$0x1D400] =	vst v63  }
0x181: {  	s4 =	rddreg [dreg:$0x18]  }
0x182: {  	[tilespmem:s1], [sflag:$0x1] =	stream.indirect.gather [hbm4b:s3+s5], $0x10, s4, s5, $0xb8;
	[tilespmem:$0x1D400] =	vst v63  }
0x183: {  	s11 =	rddreg [dreg:$0x19];
	s12 =	simm.s32 $0x17400  }
0x184: {  	[tilespmem:s12], [sflag:$0x1] =	stream.indirect.gather [hbm4b:s3+s5], $0x10, s11, s5, $0xb8;
	[tilespmem:$0x1D400] =	vst v63  }
0x185: {  	s4 =	rddreg [dreg:$0x1a];
	s11 =	simm.s32 $0x18400  }
0x186: {  	[tilespmem:s11], [sflag:$0x1] =	stream.indirect.gather [hbm4b:s3+s5], $0x10, s4, s5, $0xb8;
	[tilespmem:$0x1D400] =	vst v63  }
0x187: {  	s9 =	rddreg [dreg:$0x1b]  }
0x188: {  	[tilespmem:s30], [sflag:$0x1] =	stream.indirect.gather [hbm4b:s3+s5], $0x10, s9, s5, $0xb8;
	[tilespmem:$0x1D400] =	vst v63  }
0x189: {  	s4 =	rddreg [dreg:$0x1c]  }
0x18a: {  	[tilespmem:s28], [sflag:$0x1] =	stream.indirect.gather [hbm4b:s3+s5], $0x10, s4, s5, $0xb8;
	[tilespmem:$0x1D400] =	vst v63  }
0x18b: {  	s9 =	rddreg [dreg:$0x1d]  }
0x18c: {  	[tilespmem:s23], [sflag:$0x1] =	stream.indirect.gather [hbm4b:s3+s5], $0x10, s9, s5, $0xb8;
	[tilespmem:$0x1D400] =	vst v63  }
0x18d: {  	s4 =	rddreg [dreg:$0x1e]  }
0x18e: {  	[tilespmem:s24], [sflag:$0x1] =	stream.indirect.gather [hbm4b:s3+s5], $0x10, s4, s5, $0xb8;
	[tilespmem:$0x1D400] =	vst v63  }
0x18f: {  	_ =	swait.ge [sflag:s8], $0xD000  }
0x190: {  	[sflag:s8] =	ssyncset.done $0x0  }
0x191: {  	s4 =	simm.s32 $0x3400;
	s10 =	rddreg [dreg:$0x3];
	[sflag:s8] =	ssyncadd.s32 $0xFFFF3000  }
0x192: {  	[hbm4b:s10+s2] =	stream.linear.scatter [tilespmem:s4], [sflag:$0x2], $0xD000, $0x38;
	[tilespmem:$0x1D400] =	vst v63  }
0x193: {  	_ =	swait.ge [sflag:s13], $0xD000  }
0x194: {  	s9 =	rddreg [dreg:$0x1f];
	[sflag:s13] =	ssyncset.done $0x0  }
0x195: {  	s10 =	sld [smem:$0x7E5];
	[sflag:s13] =	ssyncadd.s32 $0xFFFF3000  }
0x196: {  	[tilespmem:s4], [sflag:$0x1] =	stream.indirect.gather [hbm4b:s3+s5], $0x10, s9, s5, $0xb8;
	[tilespmem:$0x1D400] =	vst v63  }
0x197: {  	s9 =	sld [smem:$0x7E6];
	s4 =	simm.s32 $0x4400  }
0x198: {  	[tilespmem:s4], [sflag:$0x1] =	stream.indirect.gather [hbm4b:s3+s5], $0x10, s10, s5, $0xb8;
	[tilespmem:$0x1D400] =	vst v63  }
0x199: {  	s4 =	sld [smem:$0x7E7]  }
0x19a: {  	[tilespmem:s7], [sflag:$0x1] =	stream.indirect.gather [hbm4b:s3+s5], $0x10, s9, s5, $0xb8;
	[tilespmem:$0x1D400] =	vst v63  }
0x19b: {  	s7 =	sld [smem:$0x7E8]  }
0x19c: {  	[tilespmem:s14], [sflag:$0x1] =	stream.indirect.gather [hbm4b:s3+s5], $0x10, s4, s5, $0xb8;
	[tilespmem:$0x1D400] =	vst v63  }
0x19d: {  	s14 =	sld [smem:$0x7E9]  }
0x19e: {  	[tilespmem:s15], [sflag:$0x1] =	stream.indirect.gather [hbm4b:s3+s5], $0x10, s7, s5, $0xb8;
	[tilespmem:$0x1D400] =	vst v63  }
0x19f: {  	s15 =	sld [smem:$0x7EA]  }
0x1a0: {  	[tilespmem:s16], [sflag:$0x1] =	stream.indirect.gather [hbm4b:s3+s5], $0x10, s14, s5, $0xb8;
	[tilespmem:$0x1D400] =	vst v63  }
0x1a1: {  	s16 =	sld [smem:$0x7EB]  }
0x1a2: {  	[tilespmem:s17], [sflag:$0x1] =	stream.indirect.gather [hbm4b:s3+s5], $0x10, s15, s5, $0xb8;
	[tilespmem:$0x1D400] =	vst v63  }
0x1a3: {  	s17 =	sld [smem:$0x7EC]  }
0x1a4: {  	[tilespmem:s19], [sflag:$0x1] =	stream.indirect.gather [hbm4b:s3+s5], $0x10, s16, s5, $0xb8;
	[tilespmem:$0x1D400] =	vst v63  }
0x1a5: {  	s19 =	sld [smem:$0x7ED]  }
0x1a6: {  	[tilespmem:s21], [sflag:$0x1] =	stream.indirect.gather [hbm4b:s3+s5], $0x10, s17, s5, $0xb8;
	[tilespmem:$0x1D400] =	vst v63  }
0x1a7: {  	s21 =	sld [smem:$0x7EE]  }
0x1a8: {  	[tilespmem:s25], [sflag:$0x1] =	stream.indirect.gather [hbm4b:s3+s5], $0x10, s19, s5, $0xb8;
	[tilespmem:$0x1D400] =	vst v63  }
0x1a9: {  	s25 =	sld [smem:$0x7EF]  }
0x1aa: {  	[tilespmem:s29], [sflag:$0x1] =	stream.indirect.gather [hbm4b:s3+s5], $0x10, s21, s5, $0xb8;
	[tilespmem:$0x1D400] =	vst v63  }
0x1ab: {  	s29 =	sld [smem:$0x7F0]  }
0x1ac: {  	[tilespmem:s31], [sflag:$0x1] =	stream.indirect.gather [hbm4b:s3+s5], $0x10, s25, s5, $0xb8;
	[tilespmem:$0x1D400] =	vst v63  }
0x1ad: {  	s1 =	simm.s32 $0xF400  }
0x1ae: {  	[tilespmem:s1], [sflag:$0x1] =	stream.indirect.gather [hbm4b:s3+s5], $0x10, s29, s5, $0xb8;
	[tilespmem:$0x1D400] =	vst v63  }
0x1af: {  	_ =	swait.ge [sflag:s8], $0xD000  }
0x1b0: {  	[sflag:s8] =	ssyncset.done $0x0  }
0x1b1: {  	s6 =	simm.s32 $0x10400;
	s31 =	rddreg [dreg:$0x4];
	[sflag:s8] =	ssyncadd.s32 $0xFFFF3000  }
0x1b2: {  	[hbm4b:s31+s2] =	stream.linear.scatter [tilespmem:s6], [sflag:$0x2], $0xD000, $0x38;
	[tilespmem:$0x1D400] =	vst v63  }
0x1b3: {  	_ =	swait.ge [sflag:s13], $0xD000  }
0x1b4: {  	s4 =	sld [smem:$0x7F1]  }
0x1b5: {  	[sflag:s13] =	ssyncset.done $0x0  }
0x1b6: {  	s7 =	sld [smem:$0x7F2];
	[sflag:s13] =	ssyncadd.s32 $0xFFFF3000  }
0x1b7: {  	[tilespmem:s6], [sflag:$0x1] =	stream.indirect.gather [hbm4b:s3+s5], $0x10, s4, s5, $0xb8;
	[tilespmem:$0x1D400] =	vst v63  }
0x1b8: {  	s10 =	sld [smem:$0x7F3]  }
0x1b9: {  	[tilespmem:s18], [sflag:$0x1] =	stream.indirect.gather [hbm4b:s3+s5], $0x10, s7, s5, $0xb8;
	[tilespmem:$0x1D400] =	vst v63  }
0x1ba: {  	s14 =	sld [smem:$0x7F4]  }
0x1bb: {  	[tilespmem:s20], [sflag:$0x1] =	stream.indirect.gather [hbm4b:s3+s5], $0x10, s10, s5, $0xb8;
	[tilespmem:$0x1D400] =	vst v63  }
0x1bc: {  	s15 =	sld [smem:$0x7F5]  }
0x1bd: {  	[tilespmem:s22], [sflag:$0x1] =	stream.indirect.gather [hbm4b:s3+s5], $0x10, s14, s5, $0xb8;
	[tilespmem:$0x1D400] =	vst v63  }
0x1be: {  	s16 =	sld [smem:$0x7F6]  }
0x1bf: {  	[tilespmem:s26], [sflag:$0x1] =	stream.indirect.gather [hbm4b:s3+s5], $0x10, s15, s5, $0xb8;
	[tilespmem:$0x1D400] =	vst v63  }
0x1c0: {  	s17 =	sld [smem:$0x7F7]  }
0x1c1: {  	[tilespmem:s0], [sflag:$0x1] =	stream.indirect.gather [hbm4b:s3+s5], $0x10, s16, s5, $0xb8;
	[tilespmem:$0x1D400] =	vst v63  }
0x1c2: {  	s19 =	simm.s32 $0x16400;
	s18 =	sld [smem:$0x7F8]  }
0x1c3: {  	[tilespmem:s19], [sflag:$0x1] =	stream.indirect.gather [hbm4b:s3+s5], $0x10, s17, s5, $0xb8;
	[tilespmem:$0x1D400] =	vst v63  }
0x1c4: {  	s20 =	sld [smem:$0x7F9]  }
0x1c5: {  	[tilespmem:s12], [sflag:$0x1] =	stream.indirect.gather [hbm4b:s3+s5], $0x10, s18, s5, $0xb8;
	[tilespmem:$0x1D400] =	vst v63  }
0x1c6: {  	s21 =	sld [smem:$0x7FA]  }
0x1c7: {  	[tilespmem:s11], [sflag:$0x1] =	stream.indirect.gather [hbm4b:s3+s5], $0x10, s20, s5, $0xb8;
	[tilespmem:$0x1D400] =	vst v63  }
0x1c8: {  	s22 =	sld [smem:$0x7FB]  }
0x1c9: {  	[tilespmem:s30], [sflag:$0x1] =	stream.indirect.gather [hbm4b:s3+s5], $0x10, s21, s5, $0xb8;
	[tilespmem:$0x1D400] =	vst v63  }
0x1ca: {  	s25 =	sld [smem:$0x7FC]  }
0x1cb: {  	[tilespmem:s28], [sflag:$0x1] =	stream.indirect.gather [hbm4b:s3+s5], $0x10, s22, s5, $0xb8;
	[tilespmem:$0x1D400] =	vst v63  }
0x1cc: {  	s26 =	sld [smem:$0x7FD]  }
0x1cd: {  	[tilespmem:s23], [sflag:$0x1] =	stream.indirect.gather [hbm4b:s3+s5], $0x10, s25, s5, $0xb8;
	[tilespmem:$0x1D400] =	vst v63  }
0x1ce: {  	_ = 	snop  }
0x1cf: {  	[tilespmem:s24], [sflag:$0x1] =	stream.indirect.gather [hbm4b:s3+s5], $0x10, s26, s5, $0xb8;
	[tilespmem:$0x1D400] =	vst v63  }
0x1d0: {  	_ =	swait.ge [sflag:s8], $0xD000  }
0x1d1: {  	[sflag:s8] =	ssyncset.done $0x0  }
0x1d2: {  	s29 =	simm.s32 $0x3400;
	s28 =	rddreg [dreg:$0x5];
	[sflag:s8] =	ssyncadd.s32 $0xFFFF3000  }
0x1d3: {  	[hbm4b:s28+s2] =	stream.linear.scatter [tilespmem:s29], [sflag:$0x2], $0xD000, $0x38;
	[tilespmem:$0x1D400] =	vst v63  }
0x1d4: {  	_ =	swait.ge [sflag:s8], $0xD000  }
0x1d5: {  	[sflag:s8] =	ssyncset.done $0x0  }
0x1d6: {  	s30 =	rddreg [dreg:$0x6];
	[sflag:s8] =	ssyncadd.s32 $0xFFFF3000  }
0x1d7: {  	[hbm4b:s30+s2] =	stream.linear.scatter [tilespmem:s6], [sflag:$0x2], $0xD000, $0x38;
	[tilespmem:$0x1D400] =	vst v63  }
0x1d8: {  	_ =	swait.ge [sflag:s13], $0xD000  }
0x1d9: {  	[sflag:s13] =	ssyncset.done $0x0  }
0x1da: {  	[sflag:s13] =	ssyncadd.s32 $0xFFFF3000  }
0x1db: {  	_ =	swait.ge [sflag:s13], $0xD000  }
0x1dc: {  	[sflag:s13] =	ssyncset.done $0x0  }
0x1dd: {  	[sflag:s13] =	ssyncadd.s32 $0xFFFF3000  }
0x1de: {  	_ =	sfence.sel $0x180000  }
0x1df: {  	[bflag:$0x0] =	sbarrier.arrive $0xFFFF  }
0x1e0: {  	_ =	strace $0x90000047  }
0x1e1: {  	s31 =	stileid.u32;
	[bflag:$0x2] =	sbarrier.arrive $0xFFFF  }
0x1e2: {  	p0 =	sne.s32 s31, $0x0;
	s0 =	rddreg [dreg:$0x1]  }
0x1e3: {  	s0 =	sadd.s32 @!p0 $0x100000, s0  }
0x1e4: {  	[sflag:s0] =	ssyncadd.tile.s32 @!p0 $0x1;
	_ =	shalt  }
.LBB2_1:
.Ltmp3:
0x1e5: {  	(pc) =	sbr.rel .LBB2_6-.Ltmp3, $2  }
0x1e6: {  	_ =	sdelay $0x2  }
0x1e7: {  	s0 =	simm.s32 $0x10400;
	s7 =	simm.s32 $0x5400  }
.LBB2_7:
0x1e8: {  	s10 =	simm.s32 $0x4400;
	s7 =	simm.s32 $0x5400  }
0x1e9: {  	s14 =	simm.s32 $0x6400;
	s15 =	simm.s32 $0x7400;
	s16 =	simm.s32 $0x8400  }
0x1ea: {  	s17 =	simm.s32 $0x9400;
	s18 =	simm.s32 $0x11400;
	s19 =	simm.s32 $0xA400  }
.Ltmp4:
0x1eb: {  	s20 =	simm.s32 $0x12400;
	s21 =	simm.s32 $0xB400;
	(pc) =	sbr.rel .LBB2_6-.Ltmp4, $4  }
0x1ec: {  	s22 =	simm.s32 $0x13400;
	s23 =	simm.s32 $0x1B400;
	s24 =	simm.s32 $0x1C400  }
0x1ed: {  	s25 =	simm.s32 $0xC400;
	s26 =	simm.s32 $0x14400;
	s28 =	simm.s32 $0x1A400  }
0x1ee: {  	s29 =	simm.s32 $0xD400;
	s30 =	simm.s32 $0x19400;
	s31 =	simm.s32 $0xE400  }
0x1ef: {  	s12 =	simm.s32 $0xF400;
	s1 =	simm.s32 $0x16400;
	s4 =	simm.s32 $0x3  }
.Lfunc_end2:
_tile_overlayer_lowered:
.L_overlay_start_2:
0x1f0: {  	(tag) =	ssettag $0x2  }
0x1f1: {  	s0 =	rddreg [dreg:$0x0];
	s2 =	stileid.u32  }
0x1f2: {  	s1 =	rddreg [dreg:$0x1];
	p0 =	sne.s32 s2, $0x0  }
0x1f3: {  	s3 =	rddreg [dreg:$0x2];
	[bflag:$0x3] =	sbarrier.arrive $0xFFFF;
	s2 =	simm.s32 @!p0 $0x1C03  }
0x1f4: {  	[timem:s3], [sflag:s2] =	dma.local @!p0 [hbm:s0], s1  }
0x1f5: {  	s0 =	simm.s32 @!p0 $0x3  }
0x1f6: {  	_ =	swait.ge @!p0 [sflag:s0], s1  }
0x1f7: {  	s1 =	ssub.s32 @!p0 $0x0, s1;
	[sflag:s0] =	ssyncset.done @!p0 $0x0  }
0x1f8: {  	[sflag:s0] =	ssyncadd.s32 @!p0 s1  }
0x1f9: {  	[bflag:$0x3] =	sbarrier.arrive $0xFFFF  }
0x1fa: {  	_ =	shalt  }

// kernel: sc_wide.3.cloned.1.call-start
scs
__scs_entry_jumppad:
0x0: {  	(pc) =	sbr.rel $0x88, $3  }
0x1: {  	(tag) =	ssettag $0x0;
	lr =	simm.s32 $0x1  }
0x2: {  	[smem:$0x3F94] =	sst lr;
	_ =	strace $0xD0000000  }
0x3: {  	_ = 	snop  }
0x4: {  	_ = 	snop  }
0x5: {  	_ = 	snop  }
0x6: {  	_ = 	snop  }
0x7: {  	_ = 	snop  }
__scs_overlays_trampoline_lowered:
0x8: {  	[smem:$0x3FA3] =	sst s0  }
0x9: {  	[smem:$0x3FA4] =	sst s1  }
0xa: {  	[smem:$0x3FA5] =	sst s2  }
0xb: {  	[smem:$0x3FA6] =	sst s3  }
0xc: {  	[smem:$0x3FA7] =	sst s4  }
0xd: {  	[smem:$0x3FA8] =	sst s5  }
0xe: {  	[smem:$0x3FA9] =	sst s6  }
0xf: {  	[smem:$0x3FAA] =	sst s7  }
0x10: {  	[smem:$0x3FAB] =	sst s8  }
0x11: {  	[smem:$0x3FAC] =	sst s9;
	s0 =	simm.s32 @!p0 $0x0  }
0x12: {  	s1 =	sld [smem:$0x3F92];
	s0 =	simm.s32 @p0 $0x1  }
0x13: {  	[smem:$0x3FAD] =	sst s0;
	s0 =	simm.s32 @!p1 $0x0  }
0x14: {  	s2 =	sld [smem:$0x3F91];
	s0 =	simm.s32 @p1 $0x1  }
0x15: {  	[smem:$0x3FAE] =	sst s0;
	s0 =	simm.s32 @!p2 $0x0  }
0x16: {  	s3 =	sld [smem:$0x3FDB];
	s0 =	simm.s32 @p2 $0x1  }
0x17: {  	s4 =	simm.s32 $0x1BF5;
	[smem:$0x3FB0] =	sst s0  }
0x18: {  	s0 =	sld [smem:$0x3F93];
	_ =	swait.ge [sflag:s4], $0x0  }
0x19: {  	s7 =	sld [smem:$0x3F94]  }
0x1a: {  	s8 =	sadd.s32 $0xFFFFE003, lr  }
0x1b: {  	s9 =	sadd.s32 $0xFFFFFEF7, lr;
	s5 =	simm.s32 $0xFFFFFFFF;
	p2 =	slt.u32 s8, $0xFFFFF086  }
0x1c: {  	p1 =	slt.u32 s9, $0xF7A;
	s5 =	simm.s32 @!p2 $0x0  }
0x1d: {  	s5 =	simm.s32 @p1 $0x1;
	p0 =	seq.s32 s7, s2  }
0x1e: {  	s7 =	smul.u32 @!p0 $0xF7A, s2;
	p2 =	seq.s32 @!p0 s5, $0x0  }
0x1f: {  	s9 =	smul.u32 $0xF7A, s1;
	s8 =	simm.s32 @!p0 $0x1BF5;
	p2 =	por !p2, p0  }
0x20: {  	[sflag:s8] =	ssyncset.s32 @!p0 $0xFFFFF086;
	s6 =	sadd.s32 @!p0 s3, s7;
	s7 =	simm.s32 @!p0 $0x108  }
0x21: {  	s3 =	sadd.s32 s3, s9;
	s6 =	sadd.s32 @!p0 $0x88, s6;
	s7 =	simm.s32 @p2 $0x1082  }
0x22: {  	[simem:s7], [sflag:s8] =	dma.local @!p0 [hbm:s6], $0xF7A  }
0x23: {  	s9 =	sor.u32 $0xD0000000, s2;
	s6 =	simm.s32 $0x108;
	_ =	swait.ge @!p0 [sflag:s8], $0x0  }
0x24: {  	s3 =	sadd.s32 $0x88, s3;
	s6 =	simm.s32 @!p1 $0x1082;
	[sflag:s4] =	ssyncset.s32 $0xFFFFF086  }
0x25: {  	[simem:s6], [sflag:s4] =	dma.local [hbm:s3], $0xF7A  }
0x26: {  	[smem:$0x3F94] =	sst s1;
	(tag) =	ssettag s2;
	_ =	strace s9  }
0x27: {  	s1 =	sld [smem:$0x3FA4]  }
0x28: {  	s2 =	sld [smem:$0x3FA5]  }
0x29: {  	s4 =	sld [smem:$0x3FA7]  }
0x2a: {  	p0 =	seq.s32 s5, $0x0;
	s5 =	sld [smem:$0x3FA8]  }
0x2b: {  	s6 =	sld [smem:$0x3FA9]  }
0x2c: {  	s7 =	sld [smem:$0x3FAA]  }
0x2d: {  	s3 =	simm.s32 $0x108;
	s8 =	sld [smem:$0x3FAB]  }
0x2e: {  	s3 =	simm.s32 @!p0 $0x1082;
	s9 =	sld [smem:$0x3FAC]  }
0x2f: {  	lr =	sadd.s32 s0, s3;
	s0 =	sld [smem:$0x3FA3]  }
0x30: {  	s3 =	sld [smem:$0x3FA6]  }
0x31: {  	[smem:$0x3FAF] =	sst s10  }
0x32: {  	s10 =	sld [smem:$0x3FAD];
	_ =	sdelay $0x3  }
0x33: {  	p0 =	seq.s32 s10, $0x1;
	s10 =	sld [smem:$0x3FAF];
	_ =	sdelay $0x3  }
0x34: {  	[smem:$0x3FAF] =	sst s10  }
0x35: {  	s10 =	sld [smem:$0x3FAE];
	_ =	sdelay $0x3  }
0x36: {  	p1 =	seq.s32 s10, $0x1;
	s10 =	sld [smem:$0x3FAF];
	_ =	sdelay $0x3  }
0x37: {  	[smem:$0x3FAF] =	sst s10  }
0x38: {  	s10 =	sld [smem:$0x3FB0]  }
0x39: {  	_ = 	snop;
	(pc) =	sbr.ind lr, $3  }
0x3a: {  	_ = 	snop  }
0x3b: {  	_ = 	snop  }
0x3c: {  	p2 =	seq.s32 s10, $0x1;
	s10 =	sld [smem:$0x3FAF]  }
0x3d: {  	_ =	shalt  }
0x3e: {  	_ =	shalt  }
0x3f: {  	_ =	shalt  }
0x40: {  	_ =	shalt  }
0x41: {  	_ =	shalt  }
0x42: {  	_ =	shalt  }
0x43: {  	_ =	shalt  }
0x44: {  	_ =	shalt  }
0x45: {  	_ =	shalt  }
0x46: {  	_ =	shalt  }
0x47: {  	_ =	shalt  }
0x48: {  	_ =	shalt  }
0x49: {  	_ =	shalt  }
0x4a: {  	_ =	shalt  }
0x4b: {  	_ =	shalt  }
0x4c: {  	_ =	shalt  }
0x4d: {  	_ =	shalt  }
0x4e: {  	_ =	shalt  }
0x4f: {  	_ =	shalt  }
0x50: {  	_ =	shalt  }
0x51: {  	_ =	shalt  }
0x52: {  	_ =	shalt  }
0x53: {  	_ =	shalt  }
0x54: {  	_ =	shalt  }
0x55: {  	_ =	shalt  }
0x56: {  	_ =	shalt  }
0x57: {  	_ =	shalt  }
0x58: {  	_ =	shalt  }
0x59: {  	_ =	shalt  }
0x5a: {  	_ =	shalt  }
0x5b: {  	_ =	shalt  }
0x5c: {  	_ =	shalt  }
0x5d: {  	_ =	shalt  }
0x5e: {  	_ =	shalt  }
0x5f: {  	_ =	shalt  }
0x60: {  	_ =	shalt  }
0x61: {  	_ =	shalt  }
0x62: {  	_ =	shalt  }
0x63: {  	_ =	shalt  }
0x64: {  	_ =	shalt  }
0x65: {  	_ =	shalt  }
0x66: {  	_ =	shalt  }
0x67: {  	_ =	shalt  }
0x68: {  	_ =	shalt  }
0x69: {  	_ =	shalt  }
0x6a: {  	_ =	shalt  }
0x6b: {  	_ =	shalt  }
0x6c: {  	_ =	shalt  }
0x6d: {  	_ =	shalt  }
0x6e: {  	_ =	shalt  }
0x6f: {  	_ =	shalt  }
0x70: {  	_ =	shalt  }
0x71: {  	_ =	shalt  }
0x72: {  	_ =	shalt  }
0x73: {  	_ =	shalt  }
0x74: {  	_ =	shalt  }
0x75: {  	_ =	shalt  }
0x76: {  	_ =	shalt  }
0x77: {  	_ =	shalt  }
0x78: {  	_ =	shalt  }
0x79: {  	_ =	shalt  }
0x7a: {  	_ =	shalt  }
0x7b: {  	_ =	shalt  }
0x7c: {  	_ =	shalt  }
0x7d: {  	_ =	shalt  }
0x7e: {  	_ =	shalt  }
0x7f: {  	_ =	shalt  }
0x80: {  	_ =	shalt  }
0x81: {  	_ =	shalt  }
0x82: {  	_ =	shalt  }
0x83: {  	_ =	shalt  }
0x84: {  	_ =	shalt  }
0x85: {  	_ =	shalt  }
0x86: {  	_ =	shalt  }
0x87: {  	_ =	shalt  }
.Lfunc_end0:
.L_simem_size_0:
called_computation_lowered:
.L_overlay_start_0:
0x88: {  	s2 =	sld [smem:$0x3FD9]  }
0x89: {  	s3 =	sld [smem:$0x3FFE];
	_ =	sdelay $0x1  }
0x8a: {  	s1 =	srdreg.scid  }
0x8b: {  	s0 =	sand.u32 $0x1, s1  }
0x8c: {  	s17 =	sshll.u32 s0, $0xA;
	s2 =	sadd.s32 s3, s2  }
0x8d: {  	s2 =	sadd.s32 s2, s17  }
0x8e: {  	[smem:$0x3FBB] =	sst s2  }
0x8f: {  	_ = 	snop  }
0x90: {  	s18 =	sld [smem:$0x3FD0];
	(tm) =	ssettm $0x1  }
0x91: {  	s19 =	sld [smem:$0x3FFB];
	_ =	sdelay $0x3  }
0x92: {  	_ =	strace s19  }
0x93: {  	s2 =	sld [smem:$0x3FFC];
	_ =	sdelay $0x3  }
0x94: {  	_ =	strace s2  }
0x95: {  	s2 =	sld [smem:$0x3FFD];
	_ =	sdelay $0x3  }
0x96: {  	_ =	strace s2  }
0x97: {  	_ =	strace $0x8FFFFFFF  }
0x98: {  	s20 =	sld [smem:$0x3FDB];
	_ =	sdelay $0x1  }
0x99: {  	s4 =	simm.s32 $_scs_section_size  }
0x9a: {  	s5 =	simm.s32 $_size__tile_overlayer_lowered;
	s6 =	simm.s32 $_tile_overlayer_lowered  }
0x9b: {  	s7 =	simm.s32 $0x1BFF;
	s21 =	sshll.u32 s6, $0x1;
	s4 =	sadd.s32 s4, s20  }
0x9c: {  	s22 =	simm.s32 $0x0;
	s5 =	sshll.u32 s5, $0x1;
	s6 =	sadd.s32 s21, s4  }
0x9d: {  	[timem:s22], [sflag:s7] =	dma.local [hbm:s6], s5  }
0x9e: {  	_ =	swait.ge [sflag:s7], s5  }
0x9f: {  	s5 =	ssub.s32 $0x0, s5;
	[sflag:s7] =	ssyncset.done $0x0  }
0xa0: {  	[sflag:s7] =	ssyncadd.s32 s5;
	_ =	sdelay $0x1  }
0xa1: {  	s23 =	simm.s32 $0x1B8B  }
0xa2: {  	_ =	swait.ge [sflag:s23], $0x1  }
0xa3: {  	[sflag:s23] =	ssyncset.done $0x0  }
0xa4: {  	[sflag:s23] =	ssyncadd.s32 $0xFFFFFFFF  }
0xa5: {  	s5 =	sld [smem:$0x0]  }
0xa6: {  	s6 =	sand.u32 $0xFFFFFFFE, s1  }
0xa7: {  	p0 =	sne.s32 s1, s6  }
0xa8: {  	s6 =	sshll.u32 @p0 s6, $0xE  }
0xa9: {  	s6 =	sadd.s32 @p0 $0x11B8D, s6;
	s7 =	sshll.u32 @p0 s5, $0x11  }
0xaa: {  	s6 =	sor.u32 @p0 s7, s6  }
0xab: {  	[sflag:s6] =	ssyncadd.remote.s32 @p0 $0x1;
	_ =	sdelay $0x1  }
0xac: {  	s6 =	simm.s32 @p0 $0x1B8D  }
0xad: {  	_ =	swait.eq @p0 [sflag:s6], $0x1  }
0xae: {  	[sflag:s6] =	ssyncadd.s32 @p0 $0xFFFFFFFF  }
0xaf: {  	s7 =	sshll.u32 @!p0 s1, $0xE  }
0xb0: {  	s7 =	sor.u32 @!p0 $0x4000, s7;
	s6 =	simm.s32 @!p0 $0x1B8D  }
0xb1: {  	s5 =	sshll.u32 @!p0 s5, $0x11;
	s7 =	sadd.s32 @!p0 $0x11B8D, s7;
	_ =	swait.eq @!p0 [sflag:s6], $0x1  }
0xb2: {  	s5 =	sor.u32 @!p0 s5, s7;
	[sflag:s6] =	ssyncadd.s32 @!p0 $0xFFFFFFFF  }
0xb3: {  	s25 =	simm.s32 $0x1B8E;
	s24 =	sld [smem:$0x3FFE];
	[sflag:s5] =	ssyncadd.remote.s32 @!p0 $0x1  }
0xb4: {  	s26 =	simm.s32 $execute0_lowered;
	[smem:$0x3FD2] =	sst s25  }
0xb5: {  	s6 =	sshll.u32 s26, $0x1;
	_ =	strace $0x80000049;
	[dreg:$0x1] =	wrdreg $0xFFFFFFFF  }
0xb6: {  	s28 =	simm.s32 $_size_execute0_lowered;
	s4 =	sadd.s32 s4, s6;
	[dreg:$0x0] =	wrdreg $0x0  }
0xb7: {  	s6 =	sshll.u32 s28, $0x1;
	[dreg:$0x2] =	wrdreg s4  }
0xb8: {  	[dreg:$0x3] =	wrdreg s6  }
0xb9: {  	[dreg:$0x4] =	wrdreg $0xC0  }
0xba: {  	_ =	task [dreg:s22], $0x5FFFF  }
0xbb: {  	[dreg:$0x1] =	wrdreg $0xFFFFFFFF  }
0xbc: {  	[dreg:$0x0] =	wrdreg $0x60  }
0xbd: {  	[dreg:$0x2] =	wrdreg s24  }
0xbe: {  	[dreg:$0x3] =	wrdreg s18  }
0xbf: {  	[dreg:$0x4] =	wrdreg $0x9  }
0xc0: {  	_ =	task.clear_ibuf [dreg:s22], $0x5FFFF;
	_ =	strace $0x90000049  }
0xc1: {  	s29 =	simm.s32 $0x9;
	_ =	strace $0x8000004B  }
0xc2: {  	_ =	swait.ge [sflag:s29], $0x1  }
0xc3: {  	[sflag:s29] =	ssyncadd.s32 $0xFFFFFFFF  }
0xc4: {  	_ =	strace $0x9000004B  }
0xc5: {  	_ =	sfence  }
0xc6: {  	s30 =	sld [smem:$0x0];
	_ =	sdelay $0x2  }
0xc7: {  	s31 =	sshll.u32 s1, $0xD;
	s1 =	sshrl.u32 s1, $0x2  }
0xc8: {  	s4 =	sand.u32 $0x4000, s31;
	s1 =	sadd.s32 s1, s30  }
0xc9: {  	s0 =	sor.u32 s4, s0;
	s1 =	sshll.u32 s1, $0x11  }
0xca: {  	s0 =	sor.u32 s1, s0  }
0xcb: {  	s0 =	sadd.s32 $0x8F2B, s0  }
0xcc: {  	[sflag:s0] =	ssyncadd.remote.s32 $0x1  }
0xcd: {  	_ =	sfence.sel $0xFFFF  }
0xce: {  	[dreg:$0x0] =	wrdreg $0xFFFFFFFF;
	(pc) =	sbr.abs _section_cstart, $3  }
0xcf: {  	[dreg:$0x1] =	wrdreg $0xFFFFFFFF  }
0xd0: {  	_ =	task.clear_ibuf [dreg:s22], $0x2FFFF;
	_ =	strace $0x9FFFFFFF  }
0xd1: {  	(tm) =	ssettm $0x7FFFFFFF  }
tec
execute0_lowered:
.L_overlay_start_1:
0x0: {  	(tag) =	ssettag $0x1  }
0x1: {  	s0 =	rddreg [dreg:$0x0]  }
0x2: {  	s1 =	srdreg.scid;
	s2 =	stileid.u32  }
0x3: {  	s5 =	rddreg [dreg:$0x1];
	s7 =	simm.s32 $0x2;
	s8 =	simm.s32 $0x80  }
0x4: {  	s11 =	simm.s32 $0x1;
	s13 =	simm.s32 $0x6380;
	s14 =	simm.s32 $0x3000  }
0x5: {  	s15 =	simm.s32 $0x6400;
	s16 =	simm.s32 $0x3080;
	s17 =	simm.s32 $0x6480  }
0x6: {  	s18 =	simm.s32 $0x3100;
	s19 =	simm.s32 $0x6500;
	s20 =	simm.s32 $0x3180  }
0x7: {  	s21 =	simm.s32 $0x6580;
	s22 =	simm.s32 $0x3200;
	s23 =	simm.s32 $0x6600  }
0x8: {  	s24 =	simm.s32 $0x3280;
	s28 =	simm.s32 $0x6700;
	s29 =	simm.s32 $0x3380  }
0x9: {  	s30 =	simm.s32 $0x6780;
	s1 =	sand.u32 $0x1, s1;
	s3 =	sshll.u32 s2, $0x1  }
0xa: {  	s31 =	simm.s32 $0x6800;
	s2 =	simm.s32 $0x0;
	s6 =	sor.u32 s1, s3  }
0xb: {  	[smem:$0x7FF] =	sst s2;
	s1 =	ssub.s32 $0x2, s1;
	s3 =	sadd.s32 $0xEBA00, s0  }
0xc: {  	s4 =	smul.u32 $0x680, s6;
	s25 =	sshrl.u32 s1, $0x1;
	s26 =	sshll.u32 s6, $0x6  }
0xd: {  	_ =	strace $0x8000004A;
	s1 =	ssub.s32 s1, s25;
	s5 =	sadd.s32 s5, s26  }
0xe: {  	s25 =	simm.s32 $0x6680;
	s26 =	simm.s32 $0x3300;
	s0 =	sadd.s32 s4, s0  }
0xf: {  	s6 =	smax.u32 s1, $0x1;
	s1 =	simm.s32 $0x0;
	s4 =	sadd.s32 $0xDEA00, s0  }
.LBB2_1:
0x10: {  	[tilespmem:s2], [sflag:$0x2] =	stream.linear.gather [hbm4b:s4+s2], $0x3400, $0x38;
	[tilespmem:$0x6A00] =	vst v63  }
0x11: {  	_ =	swait.ge [sflag:s7], $0x3400  }
0x12: {  	[sflag:s7] =	ssyncset.done $0x0  }
0x13: {  	s0 =	simm.s32 $0x3400;
	[sflag:s7] =	ssyncadd.s32 $0xFFFFCC00  }
0x14: {  	[tilespmem:s0], [sflag:$0x1] =	stream.indirect.gather [hbm4b:s3+s8], $0x1, s2, s8, $0xb8;
	[tilespmem:$0x6A00] =	vst v63  }
0x15: {  	s10 =	simm.s32 $0x3480  }
0x16: {  	[tilespmem:s10], [sflag:$0x1] =	stream.indirect.gather [hbm4b:s3+s8], $0x1, s8, s8, $0xb8;
	[tilespmem:$0x6A00] =	vst v63  }
0x17: {  	s12 =	simm.s32 $0x100;
	s9 =	simm.s32 $0x3500  }
0x18: {  	[tilespmem:s9], [sflag:$0x1] =	stream.indirect.gather [hbm4b:s3+s8], $0x1, s12, s8, $0xb8;
	[tilespmem:$0x6A00] =	vst v63  }
0x19: {  	s10 =	simm.s32 $0x180;
	s12 =	simm.s32 $0x3580  }
0x1a: {  	[tilespmem:s12], [sflag:$0x1] =	stream.indirect.gather [hbm4b:s3+s8], $0x1, s10, s8, $0xb8;
	[tilespmem:$0x6A00] =	vst v63  }
0x1b: {  	s10 =	simm.s32 $0x200;
	s12 =	simm.s32 $0x3600  }
0x1c: {  	[tilespmem:s12], [sflag:$0x1] =	stream.indirect.gather [hbm4b:s3+s8], $0x1, s10, s8, $0xb8;
	[tilespmem:$0x6A00] =	vst v63  }
0x1d: {  	s10 =	simm.s32 $0x280;
	s12 =	simm.s32 $0x3680  }
0x1e: {  	[tilespmem:s12], [sflag:$0x1] =	stream.indirect.gather [hbm4b:s3+s8], $0x1, s10, s8, $0xb8;
	[tilespmem:$0x6A00] =	vst v63  }
0x1f: {  	s10 =	simm.s32 $0x300;
	s12 =	simm.s32 $0x3700  }
0x20: {  	[tilespmem:s12], [sflag:$0x1] =	stream.indirect.gather [hbm4b:s3+s8], $0x1, s10, s8, $0xb8;
	[tilespmem:$0x6A00] =	vst v63  }
0x21: {  	s10 =	simm.s32 $0x380;
	s12 =	simm.s32 $0x3780  }
0x22: {  	[tilespmem:s12], [sflag:$0x1] =	stream.indirect.gather [hbm4b:s3+s8], $0x1, s10, s8, $0xb8;
	[tilespmem:$0x6A00] =	vst v63  }
0x23: {  	s10 =	simm.s32 $0x400;
	s12 =	simm.s32 $0x3800  }
0x24: {  	[tilespmem:s12], [sflag:$0x1] =	stream.indirect.gather [hbm4b:s3+s8], $0x1, s10, s8, $0xb8;
	[tilespmem:$0x6A00] =	vst v63  }
0x25: {  	s10 =	simm.s32 $0x480;
	s12 =	simm.s32 $0x3880  }
0x26: {  	[tilespmem:s12], [sflag:$0x1] =	stream.indirect.gather [hbm4b:s3+s8], $0x1, s10, s8, $0xb8;
	[tilespmem:$0x6A00] =	vst v63  }
0x27: {  	s10 =	simm.s32 $0x500;
	s12 =	simm.s32 $0x3900  }
0x28: {  	[tilespmem:s12], [sflag:$0x1] =	stream.indirect.gather [hbm4b:s3+s8], $0x1, s10, s8, $0xb8;
	[tilespmem:$0x6A00] =	vst v63  }
0x29: {  	s10 =	simm.s32 $0x580;
	s12 =	simm.s32 $0x3980  }
0x2a: {  	[tilespmem:s12], [sflag:$0x1] =	stream.indirect.gather [hbm4b:s3+s8], $0x1, s10, s8, $0xb8;
	[tilespmem:$0x6A00] =	vst v63  }
0x2b: {  	s10 =	simm.s32 $0x600;
	s12 =	simm.s32 $0x3A00  }
0x2c: {  	[tilespmem:s12], [sflag:$0x1] =	stream.indirect.gather [hbm4b:s3+s8], $0x1, s10, s8, $0xb8;
	[tilespmem:$0x6A00] =	vst v63  }
0x2d: {  	s10 =	simm.s32 $0x680;
	s12 =	simm.s32 $0x3A80  }
0x2e: {  	[tilespmem:s12], [sflag:$0x1] =	stream.indirect.gather [hbm4b:s3+s8], $0x1, s10, s8, $0xb8;
	[tilespmem:$0x6A00] =	vst v63  }
0x2f: {  	s10 =	simm.s32 $0x700;
	s12 =	simm.s32 $0x3B00  }
0x30: {  	[tilespmem:s12], [sflag:$0x1] =	stream.indirect.gather [hbm4b:s3+s8], $0x1, s10, s8, $0xb8;
	[tilespmem:$0x6A00] =	vst v63  }
0x31: {  	s10 =	simm.s32 $0x780;
	s12 =	simm.s32 $0x3B80  }
0x32: {  	[tilespmem:s12], [sflag:$0x1] =	stream.indirect.gather [hbm4b:s3+s8], $0x1, s10, s8, $0xb8;
	[tilespmem:$0x6A00] =	vst v63  }
0x33: {  	s10 =	simm.s32 $0x800;
	s12 =	simm.s32 $0x3C00  }
0x34: {  	[tilespmem:s12], [sflag:$0x1] =	stream.indirect.gather [hbm4b:s3+s8], $0x1, s10, s8, $0xb8;
	[tilespmem:$0x6A00] =	vst v63  }
0x35: {  	s10 =	simm.s32 $0x880;
	s12 =	simm.s32 $0x3C80  }
0x36: {  	[tilespmem:s12], [sflag:$0x1] =	stream.indirect.gather [hbm4b:s3+s8], $0x1, s10, s8, $0xb8;
	[tilespmem:$0x6A00] =	vst v63  }
0x37: {  	s10 =	simm.s32 $0x900;
	s12 =	simm.s32 $0x3D00  }
0x38: {  	[tilespmem:s12], [sflag:$0x1] =	stream.indirect.gather [hbm4b:s3+s8], $0x1, s10, s8, $0xb8;
	[tilespmem:$0x6A00] =	vst v63  }
0x39: {  	s10 =	simm.s32 $0x980;
	s12 =	simm.s32 $0x3D80  }
0x3a: {  	[tilespmem:s12], [sflag:$0x1] =	stream.indirect.gather [hbm4b:s3+s8], $0x1, s10, s8, $0xb8;
	[tilespmem:$0x6A00] =	vst v63  }
0x3b: {  	s10 =	simm.s32 $0xA00;
	s12 =	simm.s32 $0x3E00  }
0x3c: {  	[tilespmem:s12], [sflag:$0x1] =	stream.indirect.gather [hbm4b:s3+s8], $0x1, s10, s8, $0xb8;
	[tilespmem:$0x6A00] =	vst v63  }
0x3d: {  	s10 =	simm.s32 $0xA80;
	s12 =	simm.s32 $0x3E80  }
0x3e: {  	[tilespmem:s12], [sflag:$0x1] =	stream.indirect.gather [hbm4b:s3+s8], $0x1, s10, s8, $0xb8;
	[tilespmem:$0x6A00] =	vst v63  }
0x3f: {  	s10 =	simm.s32 $0xB00;
	s12 =	simm.s32 $0x3F00  }
0x40: {  	[tilespmem:s12], [sflag:$0x1] =	stream.indirect.gather [hbm4b:s3+s8], $0x1, s10, s8, $0xb8;
	[tilespmem:$0x6A00] =	vst v63  }
0x41: {  	s10 =	simm.s32 $0xB80;
	s12 =	simm.s32 $0x3F80  }
0x42: {  	[tilespmem:s12], [sflag:$0x1] =	stream.indirect.gather [hbm4b:s3+s8], $0x1, s10, s8, $0xb8;
	[tilespmem:$0x6A00] =	vst v63  }
0x43: {  	s10 =	simm.s32 $0xC00;
	s12 =	simm.s32 $0x4000  }
0x44: {  	[tilespmem:s12], [sflag:$0x1] =	stream.indirect.gather [hbm4b:s3+s8], $0x1, s10, s8, $0xb8;
	[tilespmem:$0x6A00] =	vst v63  }
0x45: {  	s10 =	simm.s32 $0xC80;
	s12 =	simm.s32 $0x4080  }
0x46: {  	[tilespmem:s12], [sflag:$0x1] =	stream.indirect.gather [hbm4b:s3+s8], $0x1, s10, s8, $0xb8;
	[tilespmem:$0x6A00] =	vst v63  }
0x47: {  	_ =	swait.ge [sflag:s11], $0x680  }
0x48: {  	[sflag:s11] =	ssyncset.done $0x0  }
0x49: {  	s10 =	simm.s32 $0xD00;
	s12 =	simm.s32 $0x4100;
	[sflag:s11] =	ssyncadd.s32 $0xFFFFF980  }
0x4a: {  	[tilespmem:s12], [sflag:$0x1] =	stream.indirect.gather [hbm4b:s3+s8], $0x1, s10, s8, $0xb8;
	[tilespmem:$0x6A00] =	vst v63  }
0x4b: {  	s10 =	simm.s32 $0xD80;
	s12 =	simm.s32 $0x4180  }
0x4c: {  	[tilespmem:s12], [sflag:$0x1] =	stream.indirect.gather [hbm4b:s3+s8], $0x1, s10, s8, $0xb8;
	[tilespmem:$0x6A00] =	vst v63  }
0x4d: {  	s10 =	simm.s32 $0xE00;
	s12 =	simm.s32 $0x4200  }
0x4e: {  	[tilespmem:s12], [sflag:$0x1] =	stream.indirect.gather [hbm4b:s3+s8], $0x1, s10, s8, $0xb8;
	[tilespmem:$0x6A00] =	vst v63  }
0x4f: {  	s10 =	simm.s32 $0xE80;
	s12 =	simm.s32 $0x4280  }
0x50: {  	[tilespmem:s12], [sflag:$0x1] =	stream.indirect.gather [hbm4b:s3+s8], $0x1, s10, s8, $0xb8;
	[tilespmem:$0x6A00] =	vst v63  }
0x51: {  	s10 =	simm.s32 $0xF00;
	s12 =	simm.s32 $0x4300  }
0x52: {  	[tilespmem:s12], [sflag:$0x1] =	stream.indirect.gather [hbm4b:s3+s8], $0x1, s10, s8, $0xb8;
	[tilespmem:$0x6A00] =	vst v63  }
0x53: {  	s10 =	simm.s32 $0xF80;
	s12 =	simm.s32 $0x4380  }
0x54: {  	[tilespmem:s12], [sflag:$0x1] =	stream.indirect.gather [hbm4b:s3+s8], $0x1, s10, s8, $0xb8;
	[tilespmem:$0x6A00] =	vst v63  }
0x55: {  	s10 =	simm.s32 $0x1000;
	s12 =	simm.s32 $0x4400  }
0x56: {  	[tilespmem:s12], [sflag:$0x1] =	stream.indirect.gather [hbm4b:s3+s8], $0x1, s10, s8, $0xb8;
	[tilespmem:$0x6A00] =	vst v63  }
0x57: {  	s10 =	simm.s32 $0x1080;
	s12 =	simm.s32 $0x4480  }
0x58: {  	[tilespmem:s12], [sflag:$0x1] =	stream.indirect.gather [hbm4b:s3+s8], $0x1, s10, s8, $0xb8;
	[tilespmem:$0x6A00] =	vst v63  }
0x59: {  	s10 =	simm.s32 $0x1100;
	s12 =	simm.s32 $0x4500  }
0x5a: {  	[tilespmem:s12], [sflag:$0x1] =	stream.indirect.gather [hbm4b:s3+s8], $0x1, s10, s8, $0xb8;
	[tilespmem:$0x6A00] =	vst v63  }
0x5b: {  	s10 =	simm.s32 $0x1180;
	s12 =	simm.s32 $0x4580  }
0x5c: {  	[tilespmem:s12], [sflag:$0x1] =	stream.indirect.gather [hbm4b:s3+s8], $0x1, s10, s8, $0xb8;
	[tilespmem:$0x6A00] =	vst v63  }
0x5d: {  	s10 =	simm.s32 $0x1200;
	s12 =	simm.s32 $0x4600  }
0x5e: {  	[tilespmem:s12], [sflag:$0x1] =	stream.indirect.gather [hbm4b:s3+s8], $0x1, s10, s8, $0xb8;
	[tilespmem:$0x6A00] =	vst v63  }
0x5f: {  	s10 =	simm.s32 $0x1280;
	s12 =	simm.s32 $0x4680  }
0x60: {  	[tilespmem:s12], [sflag:$0x1] =	stream.indirect.gather [hbm4b:s3+s8], $0x1, s10, s8, $0xb8;
	[tilespmem:$0x6A00] =	vst v63  }
0x61: {  	s10 =	simm.s32 $0x1300;
	s12 =	simm.s32 $0x4700  }
0x62: {  	[tilespmem:s12], [sflag:$0x1] =	stream.indirect.gather [hbm4b:s3+s8], $0x1, s10, s8, $0xb8;
	[tilespmem:$0x6A00] =	vst v63  }
0x63: {  	_ =	swait.ge [sflag:s11], $0x680  }
0x64: {  	[sflag:s11] =	ssyncset.done $0x0  }
0x65: {  	s10 =	simm.s32 $0x1380;
	s12 =	simm.s32 $0x4780;
	[sflag:s11] =	ssyncadd.s32 $0xFFFFF980  }
0x66: {  	[tilespmem:s12], [sflag:$0x1] =	stream.indirect.gather [hbm4b:s3+s8], $0x1, s10, s8, $0xb8;
	[tilespmem:$0x6A00] =	vst v63  }
0x67: {  	s10 =	simm.s32 $0x1400;
	s12 =	simm.s32 $0x4800  }
0x68: {  	[tilespmem:s12], [sflag:$0x1] =	stream.indirect.gather [hbm4b:s3+s8], $0x1, s10, s8, $0xb8;
	[tilespmem:$0x6A00] =	vst v63  }
0x69: {  	s10 =	simm.s32 $0x1480;
	s12 =	simm.s32 $0x4880  }
0x6a: {  	[tilespmem:s12], [sflag:$0x1] =	stream.indirect.gather [hbm4b:s3+s8], $0x1, s10, s8, $0xb8;
	[tilespmem:$0x6A00] =	vst v63  }
0x6b: {  	s10 =	simm.s32 $0x1500;
	s12 =	simm.s32 $0x4900  }
0x6c: {  	[tilespmem:s12], [sflag:$0x1] =	stream.indirect.gather [hbm4b:s3+s8], $0x1, s10, s8, $0xb8;
	[tilespmem:$0x6A00] =	vst v63  }
0x6d: {  	s10 =	simm.s32 $0x1580;
	s12 =	simm.s32 $0x4980  }
0x6e: {  	[tilespmem:s12], [sflag:$0x1] =	stream.indirect.gather [hbm4b:s3+s8], $0x1, s10, s8, $0xb8;
	[tilespmem:$0x6A00] =	vst v63  }
0x6f: {  	s10 =	simm.s32 $0x1600;
	s12 =	simm.s32 $0x4A00  }
0x70: {  	[tilespmem:s12], [sflag:$0x1] =	stream.indirect.gather [hbm4b:s3+s8], $0x1, s10, s8, $0xb8;
	[tilespmem:$0x6A00] =	vst v63  }
0x71: {  	s10 =	simm.s32 $0x1680;
	s12 =	simm.s32 $0x4A80  }
0x72: {  	[tilespmem:s12], [sflag:$0x1] =	stream.indirect.gather [hbm4b:s3+s8], $0x1, s10, s8, $0xb8;
	[tilespmem:$0x6A00] =	vst v63  }
0x73: {  	s10 =	simm.s32 $0x1700;
	s12 =	simm.s32 $0x4B00  }
0x74: {  	[tilespmem:s12], [sflag:$0x1] =	stream.indirect.gather [hbm4b:s3+s8], $0x1, s10, s8, $0xb8;
	[tilespmem:$0x6A00] =	vst v63  }
0x75: {  	s10 =	simm.s32 $0x1780;
	s12 =	simm.s32 $0x4B80  }
0x76: {  	[tilespmem:s12], [sflag:$0x1] =	stream.indirect.gather [hbm4b:s3+s8], $0x1, s10, s8, $0xb8;
	[tilespmem:$0x6A00] =	vst v63  }
0x77: {  	s10 =	simm.s32 $0x1800;
	s12 =	simm.s32 $0x4C00  }
0x78: {  	[tilespmem:s12], [sflag:$0x1] =	stream.indirect.gather [hbm4b:s3+s8], $0x1, s10, s8, $0xb8;
	[tilespmem:$0x6A00] =	vst v63  }
0x79: {  	s10 =	simm.s32 $0x1880;
	s12 =	simm.s32 $0x4C80  }
0x7a: {  	[tilespmem:s12], [sflag:$0x1] =	stream.indirect.gather [hbm4b:s3+s8], $0x1, s10, s8, $0xb8;
	[tilespmem:$0x6A00] =	vst v63  }
0x7b: {  	s10 =	simm.s32 $0x1900;
	s12 =	simm.s32 $0x4D00  }
0x7c: {  	[tilespmem:s12], [sflag:$0x1] =	stream.indirect.gather [hbm4b:s3+s8], $0x1, s10, s8, $0xb8;
	[tilespmem:$0x6A00] =	vst v63  }
0x7d: {  	s10 =	simm.s32 $0x1980;
	s12 =	simm.s32 $0x4D80  }
0x7e: {  	[tilespmem:s12], [sflag:$0x1] =	stream.indirect.gather [hbm4b:s3+s8], $0x1, s10, s8, $0xb8;
	[tilespmem:$0x6A00] =	vst v63  }
0x7f: {  	_ =	swait.ge [sflag:s11], $0x680  }
0x80: {  	[sflag:s11] =	ssyncset.done $0x0  }
0x81: {  	s10 =	simm.s32 $0x1A00;
	s12 =	simm.s32 $0x4E00;
	[sflag:s11] =	ssyncadd.s32 $0xFFFFF980  }
0x82: {  	[tilespmem:s12], [sflag:$0x1] =	stream.indirect.gather [hbm4b:s3+s8], $0x1, s10, s8, $0xb8;
	[tilespmem:$0x6A00] =	vst v63  }
0x83: {  	s10 =	simm.s32 $0x1A80;
	s12 =	simm.s32 $0x4E80  }
0x84: {  	[tilespmem:s12], [sflag:$0x1] =	stream.indirect.gather [hbm4b:s3+s8], $0x1, s10, s8, $0xb8;
	[tilespmem:$0x6A00] =	vst v63  }
0x85: {  	s10 =	simm.s32 $0x1B00;
	s12 =	simm.s32 $0x4F00  }
0x86: {  	[tilespmem:s12], [sflag:$0x1] =	stream.indirect.gather [hbm4b:s3+s8], $0x1, s10, s8, $0xb8;
	[tilespmem:$0x6A00] =	vst v63  }
0x87: {  	s10 =	simm.s32 $0x1B80;
	s12 =	simm.s32 $0x4F80  }
0x88: {  	[tilespmem:s12], [sflag:$0x1] =	stream.indirect.gather [hbm4b:s3+s8], $0x1, s10, s8, $0xb8;
	[tilespmem:$0x6A00] =	vst v63  }
0x89: {  	s10 =	simm.s32 $0x1C00;
	s12 =	simm.s32 $0x5000  }
0x8a: {  	[tilespmem:s12], [sflag:$0x1] =	stream.indirect.gather [hbm4b:s3+s8], $0x1, s10, s8, $0xb8;
	[tilespmem:$0x6A00] =	vst v63  }
0x8b: {  	s10 =	simm.s32 $0x1C80;
	s12 =	simm.s32 $0x5080  }
0x8c: {  	[tilespmem:s12], [sflag:$0x1] =	stream.indirect.gather [hbm4b:s3+s8], $0x1, s10, s8, $0xb8;
	[tilespmem:$0x6A00] =	vst v63  }
0x8d: {  	s10 =	simm.s32 $0x1D00;
	s12 =	simm.s32 $0x5100  }
0x8e: {  	[tilespmem:s12], [sflag:$0x1] =	stream.indirect.gather [hbm4b:s3+s8], $0x1, s10, s8, $0xb8;
	[tilespmem:$0x6A00] =	vst v63  }
0x8f: {  	s10 =	simm.s32 $0x1D80;
	s12 =	simm.s32 $0x5180  }
0x90: {  	[tilespmem:s12], [sflag:$0x1] =	stream.indirect.gather [hbm4b:s3+s8], $0x1, s10, s8, $0xb8;
	[tilespmem:$0x6A00] =	vst v63  }
0x91: {  	s10 =	simm.s32 $0x1E00;
	s12 =	simm.s32 $0x5200  }
0x92: {  	[tilespmem:s12], [sflag:$0x1] =	stream.indirect.gather [hbm4b:s3+s8], $0x1, s10, s8, $0xb8;
	[tilespmem:$0x6A00] =	vst v63  }
0x93: {  	s10 =	simm.s32 $0x1E80;
	s12 =	simm.s32 $0x5280  }
0x94: {  	[tilespmem:s12], [sflag:$0x1] =	stream.indirect.gather [hbm4b:s3+s8], $0x1, s10, s8, $0xb8;
	[tilespmem:$0x6A00] =	vst v63  }
0x95: {  	s10 =	simm.s32 $0x1F00;
	s12 =	simm.s32 $0x5300  }
0x96: {  	[tilespmem:s12], [sflag:$0x1] =	stream.indirect.gather [hbm4b:s3+s8], $0x1, s10, s8, $0xb8;
	[tilespmem:$0x6A00] =	vst v63  }
0x97: {  	s10 =	simm.s32 $0x1F80;
	s12 =	simm.s32 $0x5380  }
0x98: {  	[tilespmem:s12], [sflag:$0x1] =	stream.indirect.gather [hbm4b:s3+s8], $0x1, s10, s8, $0xb8;
	[tilespmem:$0x6A00] =	vst v63  }
0x99: {  	s10 =	simm.s32 $0x2000;
	s12 =	simm.s32 $0x5400  }
0x9a: {  	[tilespmem:s12], [sflag:$0x1] =	stream.indirect.gather [hbm4b:s3+s8], $0x1, s10, s8, $0xb8;
	[tilespmem:$0x6A00] =	vst v63  }
0x9b: {  	_ =	swait.ge [sflag:s11], $0x680  }
0x9c: {  	[sflag:s11] =	ssyncset.done $0x0  }
0x9d: {  	s10 =	simm.s32 $0x2080;
	s12 =	simm.s32 $0x5480;
	[sflag:s11] =	ssyncadd.s32 $0xFFFFF980  }
0x9e: {  	[tilespmem:s12], [sflag:$0x1] =	stream.indirect.gather [hbm4b:s3+s8], $0x1, s10, s8, $0xb8;
	[tilespmem:$0x6A00] =	vst v63  }
0x9f: {  	s10 =	simm.s32 $0x2100;
	s12 =	simm.s32 $0x5500  }
0xa0: {  	[tilespmem:s12], [sflag:$0x1] =	stream.indirect.gather [hbm4b:s3+s8], $0x1, s10, s8, $0xb8;
	[tilespmem:$0x6A00] =	vst v63  }
0xa1: {  	s10 =	simm.s32 $0x2180;
	s12 =	simm.s32 $0x5580  }
0xa2: {  	[tilespmem:s12], [sflag:$0x1] =	stream.indirect.gather [hbm4b:s3+s8], $0x1, s10, s8, $0xb8;
	[tilespmem:$0x6A00] =	vst v63  }
0xa3: {  	s10 =	simm.s32 $0x2200;
	s12 =	simm.s32 $0x5600  }
0xa4: {  	[tilespmem:s12], [sflag:$0x1] =	stream.indirect.gather [hbm4b:s3+s8], $0x1, s10, s8, $0xb8;
	[tilespmem:$0x6A00] =	vst v63  }
0xa5: {  	s10 =	simm.s32 $0x2280;
	s12 =	simm.s32 $0x5680  }
0xa6: {  	[tilespmem:s12], [sflag:$0x1] =	stream.indirect.gather [hbm4b:s3+s8], $0x1, s10, s8, $0xb8;
	[tilespmem:$0x6A00] =	vst v63  }
0xa7: {  	s10 =	simm.s32 $0x2300;
	s12 =	simm.s32 $0x5700  }
0xa8: {  	[tilespmem:s12], [sflag:$0x1] =	stream.indirect.gather [hbm4b:s3+s8], $0x1, s10, s8, $0xb8;
	[tilespmem:$0x6A00] =	vst v63  }
0xa9: {  	s10 =	simm.s32 $0x2380;
	s12 =	simm.s32 $0x5780  }
0xaa: {  	[tilespmem:s12], [sflag:$0x1] =	stream.indirect.gather [hbm4b:s3+s8], $0x1, s10, s8, $0xb8;
	[tilespmem:$0x6A00] =	vst v63  }
0xab: {  	s10 =	simm.s32 $0x2400;
	s12 =	simm.s32 $0x5800  }
0xac: {  	[tilespmem:s12], [sflag:$0x1] =	stream.indirect.gather [hbm4b:s3+s8], $0x1, s10, s8, $0xb8;
	[tilespmem:$0x6A00] =	vst v63  }
0xad: {  	s10 =	simm.s32 $0x2480;
	s12 =	simm.s32 $0x5880  }
0xae: {  	[tilespmem:s12], [sflag:$0x1] =	stream.indirect.gather [hbm4b:s3+s8], $0x1, s10, s8, $0xb8;
	[tilespmem:$0x6A00] =	vst v63  }
0xaf: {  	s10 =	simm.s32 $0x2500;
	s12 =	simm.s32 $0x5900  }
0xb0: {  	[tilespmem:s12], [sflag:$0x1] =	stream.indirect.gather [hbm4b:s3+s8], $0x1, s10, s8, $0xb8;
	[tilespmem:$0x6A00] =	vst v63  }
0xb1: {  	s10 =	simm.s32 $0x2580;
	s12 =	simm.s32 $0x5980  }
0xb2: {  	[tilespmem:s12], [sflag:$0x1] =	stream.indirect.gather [hbm4b:s3+s8], $0x1, s10, s8, $0xb8;
	[tilespmem:$0x6A00] =	vst v63  }
0xb3: {  	s10 =	simm.s32 $0x2600;
	s12 =	simm.s32 $0x5A00  }
0xb4: {  	[tilespmem:s12], [sflag:$0x1] =	stream.indirect.gather [hbm4b:s3+s8], $0x1, s10, s8, $0xb8;
	[tilespmem:$0x6A00] =	vst v63  }
0xb5: {  	s10 =	simm.s32 $0x2680;
	s12 =	simm.s32 $0x5A80  }
0xb6: {  	[tilespmem:s12], [sflag:$0x1] =	stream.indirect.gather [hbm4b:s3+s8], $0x1, s10, s8, $0xb8;
	[tilespmem:$0x6A00] =	vst v63  }
0xb7: {  	_ =	swait.ge [sflag:s11], $0x680  }
0xb8: {  	[sflag:s11] =	ssyncset.done $0x0  }
0xb9: {  	s10 =	simm.s32 $0x2700;
	s12 =	simm.s32 $0x5B00;
	[sflag:s11] =	ssyncadd.s32 $0xFFFFF980  }
0xba: {  	[tilespmem:s12], [sflag:$0x1] =	stream.indirect.gather [hbm4b:s3+s8], $0x1, s10, s8, $0xb8;
	[tilespmem:$0x6A00] =	vst v63  }
0xbb: {  	s10 =	simm.s32 $0x2780;
	s12 =	simm.s32 $0x5B80  }
0xbc: {  	[tilespmem:s12], [sflag:$0x1] =	stream.indirect.gather [hbm4b:s3+s8], $0x1, s10, s8, $0xb8;
	[tilespmem:$0x6A00] =	vst v63  }
0xbd: {  	s10 =	simm.s32 $0x2800;
	s12 =	simm.s32 $0x5C00  }
0xbe: {  	[tilespmem:s12], [sflag:$0x1] =	stream.indirect.gather [hbm4b:s3+s8], $0x1, s10, s8, $0xb8;
	[tilespmem:$0x6A00] =	vst v63  }
0xbf: {  	s10 =	simm.s32 $0x2880;
	s12 =	simm.s32 $0x5C80  }
0xc0: {  	[tilespmem:s12], [sflag:$0x1] =	stream.indirect.gather [hbm4b:s3+s8], $0x1, s10, s8, $0xb8;
	[tilespmem:$0x6A00] =	vst v63  }
0xc1: {  	s10 =	simm.s32 $0x2900;
	s12 =	simm.s32 $0x5D00  }
0xc2: {  	[tilespmem:s12], [sflag:$0x1] =	stream.indirect.gather [hbm4b:s3+s8], $0x1, s10, s8, $0xb8;
	[tilespmem:$0x6A00] =	vst v63  }
0xc3: {  	s10 =	simm.s32 $0x2980;
	s12 =	simm.s32 $0x5D80  }
0xc4: {  	[tilespmem:s12], [sflag:$0x1] =	stream.indirect.gather [hbm4b:s3+s8], $0x1, s10, s8, $0xb8;
	[tilespmem:$0x6A00] =	vst v63  }
0xc5: {  	s10 =	simm.s32 $0x2A00;
	s12 =	simm.s32 $0x5E00  }
0xc6: {  	[tilespmem:s12], [sflag:$0x1] =	stream.indirect.gather [hbm4b:s3+s8], $0x1, s10, s8, $0xb8;
	[tilespmem:$0x6A00] =	vst v63  }
0xc7: {  	s10 =	simm.s32 $0x2A80;
	s12 =	simm.s32 $0x5E80  }
0xc8: {  	[tilespmem:s12], [sflag:$0x1] =	stream.indirect.gather [hbm4b:s3+s8], $0x1, s10, s8, $0xb8;
	[tilespmem:$0x6A00] =	vst v63  }
0xc9: {  	s10 =	simm.s32 $0x2B00;
	s12 =	simm.s32 $0x5F00  }
0xca: {  	[tilespmem:s12], [sflag:$0x1] =	stream.indirect.gather [hbm4b:s3+s8], $0x1, s10, s8, $0xb8;
	[tilespmem:$0x6A00] =	vst v63  }
0xcb: {  	s10 =	simm.s32 $0x2B80;
	s12 =	simm.s32 $0x5F80  }
0xcc: {  	[tilespmem:s12], [sflag:$0x1] =	stream.indirect.gather [hbm4b:s3+s8], $0x1, s10, s8, $0xb8;
	[tilespmem:$0x6A00] =	vst v63  }
0xcd: {  	s10 =	simm.s32 $0x2C00;
	s12 =	simm.s32 $0x6000  }
0xce: {  	[tilespmem:s12], [sflag:$0x1] =	stream.indirect.gather [hbm4b:s3+s8], $0x1, s10, s8, $0xb8;
	[tilespmem:$0x6A00] =	vst v63  }
0xcf: {  	s10 =	simm.s32 $0x2C80;
	s12 =	simm.s32 $0x6080  }
0xd0: {  	[tilespmem:s12], [sflag:$0x1] =	stream.indirect.gather [hbm4b:s3+s8], $0x1, s10, s8, $0xb8;
	[tilespmem:$0x6A00] =	vst v63  }
0xd1: {  	s10 =	simm.s32 $0x2D00;
	s12 =	simm.s32 $0x6100  }
0xd2: {  	[tilespmem:s12], [sflag:$0x1] =	stream.indirect.gather [hbm4b:s3+s8], $0x1, s10, s8, $0xb8;
	[tilespmem:$0x6A00] =	vst v63  }
0xd3: {  	_ =	swait.ge [sflag:s11], $0x680  }
0xd4: {  	[sflag:s11] =	ssyncset.done $0x0  }
0xd5: {  	s10 =	simm.s32 $0x2D80;
	s12 =	simm.s32 $0x6180;
	[sflag:s11] =	ssyncadd.s32 $0xFFFFF980  }
0xd6: {  	[tilespmem:s12], [sflag:$0x1] =	stream.indirect.gather [hbm4b:s3+s8], $0x1, s10, s8, $0xb8;
	[tilespmem:$0x6A00] =	vst v63  }
0xd7: {  	s10 =	simm.s32 $0x2E00;
	s12 =	simm.s32 $0x6200  }
0xd8: {  	[tilespmem:s12], [sflag:$0x1] =	stream.indirect.gather [hbm4b:s3+s8], $0x1, s10, s8, $0xb8;
	[tilespmem:$0x6A00] =	vst v63  }
0xd9: {  	s10 =	simm.s32 $0x2E80;
	s12 =	simm.s32 $0x6280  }
0xda: {  	[tilespmem:s12], [sflag:$0x1] =	stream.indirect.gather [hbm4b:s3+s8], $0x1, s10, s8, $0xb8;
	[tilespmem:$0x6A00] =	vst v63  }
0xdb: {  	s9 =	simm.s32 $0x2F00;
	s10 =	simm.s32 $0x6300  }
0xdc: {  	[tilespmem:s10], [sflag:$0x1] =	stream.indirect.gather [hbm4b:s3+s8], $0x1, s9, s8, $0xb8;
	[tilespmem:$0x6A00] =	vst v63  }
0xdd: {  	s12 =	simm.s32 $0x2F80  }
0xde: {  	[tilespmem:s13], [sflag:$0x1] =	stream.indirect.gather [hbm4b:s3+s8], $0x1, s12, s8, $0xb8;
	[tilespmem:$0x6A00] =	vst v63  }
0xdf: {  	_ = 	snop  }
0xe0: {  	[tilespmem:s15], [sflag:$0x1] =	stream.indirect.gather [hbm4b:s3+s8], $0x1, s14, s8, $0xb8;
	[tilespmem:$0x6A00] =	vst v63  }
0xe1: {  	_ = 	snop  }
0xe2: {  	[tilespmem:s17], [sflag:$0x1] =	stream.indirect.gather [hbm4b:s3+s8], $0x1, s16, s8, $0xb8;
	[tilespmem:$0x6A00] =	vst v63  }
0xe3: {  	_ = 	snop  }
0xe4: {  	[tilespmem:s19], [sflag:$0x1] =	stream.indirect.gather [hbm4b:s3+s8], $0x1, s18, s8, $0xb8;
	[tilespmem:$0x6A00] =	vst v63  }
0xe5: {  	_ = 	snop  }
0xe6: {  	[tilespmem:s21], [sflag:$0x1] =	stream.indirect.gather [hbm4b:s3+s8], $0x1, s20, s8, $0xb8;
	[tilespmem:$0x6A00] =	vst v63  }
0xe7: {  	_ = 	snop  }
0xe8: {  	[tilespmem:s23], [sflag:$0x1] =	stream.indirect.gather [hbm4b:s3+s8], $0x1, s22, s8, $0xb8;
	[tilespmem:$0x6A00] =	vst v63  }
0xe9: {  	_ = 	snop  }
0xea: {  	[tilespmem:s25], [sflag:$0x1] =	stream.indirect.gather [hbm4b:s3+s8], $0x1, s24, s8, $0xb8;
	[tilespmem:$0x6A00] =	vst v63  }
0xeb: {  	_ = 	snop  }
0xec: {  	[tilespmem:s28], [sflag:$0x1] =	stream.indirect.gather [hbm4b:s3+s8], $0x1, s26, s8, $0xb8;
	[tilespmem:$0x6A00] =	vst v63  }
0xed: {  	_ = 	snop  }
0xee: {  	[tilespmem:s30], [sflag:$0x1] =	stream.indirect.gather [hbm4b:s3+s8], $0x1, s29, s8, $0xb8;
	[tilespmem:$0x6A00] =	vst v63  }
0xef: {  	_ =	swait.ge [sflag:s11], $0x680  }
0xf0: {  	[sflag:s11] =	ssyncset.done $0x0  }
0xf1: {  	[sflag:s11] =	ssyncadd.s32 $0xFFFFF980  }
0xf2: {  	_ =	swait.ge [sflag:s11], $0x680  }
0xf3: {  	[sflag:s11] =	ssyncset.done $0x0  }
0xf4: {  	s9 =	simm.s32 $0x0;
	[sflag:s11] =	ssyncadd.s32 $0xFFFFF980  }
0xf5: {  	v0 =	vld [tilespmem:s9+$0x3400];
	_ =	sdelay $0x1  }
0xf6: {  	v1 =	vld [tilespmem:s9+$0x3600];
	_ =	sdelay $0x1  }
0xf7: {  	v2 =	vld [tilespmem:s9+$0x3800]  }
0xf8: {  	v0 =	vadd.f32 $0.0e+00, v0  }
0xf9: {  	v3 =	vld [tilespmem:s9+$0x3A00]  }
0xfa: {  	v0 =	vadd.f32 v1, v0  }
0xfb: {  	v1 =	vld [tilespmem:s9+$0x3C00]  }
0xfc: {  	v0 =	vadd.f32 v2, v0  }
0xfd: {  	v2 =	vld [tilespmem:s9+$0x3E00]  }
0xfe: {  	v0 =	vadd.f32 v3, v0  }
0xff: {  	v3 =	vld [tilespmem:s9+$0x4000]  }
0x100: {  	v0 =	vadd.f32 v1, v0  }
0x101: {  	v1 =	vld [tilespmem:s9+$0x4200]  }
0x102: {  	v0 =	vadd.f32 v2, v0  }
0x103: {  	v2 =	vld [tilespmem:s9+$0x4400]  }
0x104: {  	v0 =	vadd.f32 v3, v0  }
0x105: {  	v3 =	vld [tilespmem:s9+$0x4600]  }
0x106: {  	v0 =	vadd.f32 v1, v0  }
0x107: {  	v1 =	vld [tilespmem:s9+$0x4800]  }
0x108: {  	v0 =	vadd.f32 v2, v0  }
0x109: {  	v2 =	vld [tilespmem:s9+$0x4A00]  }
0x10a: {  	v0 =	vadd.f32 v3, v0  }
0x10b: {  	s0 =	simm.s32 $0x10;
	v3 =	vld [tilespmem:s9+$0x4C00]  }
0x10c: {  	v4 =	vld [tilespmem:s0+$0x3400];
	v0 =	vadd.f32 v1, v0  }
0x10d: {  	v1 =	vld [tilespmem:s9+$0x4E00]  }
0x10e: {  	v5 =	vld [tilespmem:s0+$0x3600];
	v0 =	vadd.f32 v2, v0  }
0x10f: {  	v2 =	vld [tilespmem:s9+$0x5000]  }
0x110: {  	v6 =	vld [tilespmem:s0+$0x3800];
	v0 =	vadd.f32 v3, v0  }
0x111: {  	v3 =	vld [tilespmem:s9+$0x5200]  }
0x112: {  	v7 =	vld [tilespmem:s0+$0x3A00];
	v4 =	vadd.f32 $0.0e+00, v4;
	v0 =	vadd.f32 v1, v0  }
0x113: {  	v1 =	vld [tilespmem:s9+$0x5400]  }
0x114: {  	v4 =	vadd.f32 v5, v4;
	v5 =	vld [tilespmem:s0+$0x3C00];
	v0 =	vadd.f32 v2, v0  }
0x115: {  	v2 =	vld [tilespmem:s9+$0x5600]  }
0x116: {  	v4 =	vadd.f32 v6, v4;
	v6 =	vld [tilespmem:s0+$0x3E00];
	v0 =	vadd.f32 v3, v0  }
0x117: {  	v3 =	vld [tilespmem:s9+$0x5800]  }
0x118: {  	v4 =	vadd.f32 v7, v4;
	v7 =	vld [tilespmem:s0+$0x4000];
	v0 =	vadd.f32 v1, v0  }
0x119: {  	v1 =	vld [tilespmem:s9+$0x5A00]  }
0x11a: {  	v4 =	vadd.f32 v5, v4;
	v5 =	vld [tilespmem:s0+$0x4200];
	v0 =	vadd.f32 v2, v0  }
0x11b: {  	v2 =	vld [tilespmem:s9+$0x5C00]  }
0x11c: {  	v4 =	vadd.f32 v6, v4;
	v6 =	vld [tilespmem:s0+$0x4400];
	v0 =	vadd.f32 v3, v0  }
0x11d: {  	v3 =	vld [tilespmem:s9+$0x5E00]  }
0x11e: {  	v4 =	vadd.f32 v7, v4;
	v7 =	vld [tilespmem:s0+$0x4600];
	v0 =	vadd.f32 v1, v0  }
0x11f: {  	v1 =	vld [tilespmem:s9+$0x6000]  }
0x120: {  	v8 =	vld [tilespmem:s9+$0x6200];
	v4 =	vadd.f32 v5, v4;
	v0 =	vadd.f32 v2, v0  }
0x121: {  	v2 =	vld [tilespmem:s0+$0x4800]  }
0x122: {  	v4 =	vadd.f32 v6, v4;
	v5 =	vadd.f32 v3, v0;
	v0 =	vld [tilespmem:s9+$0x6400]  }
0x123: {  	v3 =	vld [tilespmem:s0+$0x4A00]  }
0x124: {  	v6 =	vadd.f32 v7, v4;
	v4 =	vld [tilespmem:s0+$0x4C00];
	v7 =	vadd.f32 v1, v5  }
0x125: {  	v1 =	vld [tilespmem:s9+$0x6600]  }
0x126: {  	s10 =	simm.s32 $0x20;
	s12 =	simm.s32 $0xC0;
	v5 =	vadd.f32 v2, v6;
	v2 =	vld [tilespmem:s0+$0x4E00];
	v6 =	vadd.f32 v8, v7  }
.LBB2_2:
0x127: {  	p0 =	sne.s32 s12, $0x7C0;
	v7 =	vld [tilespmem:s10+$0x3400]  }
0x128: {  	v3 =	vadd.f32 v3, v5;
	v5 =	vld [tilespmem:s0+$0x5000];
	v0 =	vadd.f32 v0, v6  }
0x129: {  	v6 =	vld [tilespmem:s10+$0x3600]  }
0x12a: {  	v3 =	vadd.f32 v4, v3;
	v4 =	vld [tilespmem:s0+$0x5200];
	v0 =	vadd.f32 v1, v0  }
0x12b: {  	v1 =	vld [tilespmem:s10+$0x3800]  }
0x12c: {  	v7 =	vadd.f32 $0.0e+00, v7;
	v2 =	vadd.f32 v2, v3;
	v3 =	vld [tilespmem:s0+$0x5400];
	[tilespmem:s9+$0x6800] =	vst v0;
	s9 =	smov.u32 s0;
	s0 =	smov.u32 s10  }
0x12d: {  	v0 =	vld [tilespmem:s0+$0x3A00]  }
0x12e: {  	v6 =	vadd.f32 v6, v7;
	v2 =	vadd.f32 v5, v2;
	v5 =	vld [tilespmem:s9+$0x5600]  }
0x12f: {  	v7 =	vld [tilespmem:s0+$0x3C00]  }
0x130: {  	v1 =	vadd.f32 v1, v6;
	v2 =	vadd.f32 v4, v2;
	v4 =	vld [tilespmem:s9+$0x5800]  }
0x131: {  	v6 =	vld [tilespmem:s0+$0x3E00]  }
0x132: {  	v0 =	vadd.f32 v0, v1;
	v1 =	vadd.f32 v3, v2;
	v2 =	vld [tilespmem:s9+$0x5A00]  }
0x133: {  	v3 =	vld [tilespmem:s0+$0x4000]  }
0x134: {  	v0 =	vadd.f32 v7, v0;
	v1 =	vadd.f32 v5, v1;
	v5 =	vld [tilespmem:s9+$0x5C00]  }
0x135: {  	v7 =	vld [tilespmem:s0+$0x4200]  }
0x136: {  	v0 =	vadd.f32 v6, v0;
	v1 =	vadd.f32 v4, v1;
	v4 =	vld [tilespmem:s9+$0x5E00]  }
0x137: {  	v6 =	vld [tilespmem:s0+$0x4400]  }
0x138: {  	v0 =	vadd.f32 v3, v0;
	v1 =	vadd.f32 v2, v1;
	v2 =	vld [tilespmem:s9+$0x6000]  }
0x139: {  	v8 =	vld [tilespmem:s0+$0x4600]  }
0x13a: {  	v0 =	vadd.f32 v7, v0;
	v1 =	vadd.f32 v5, v1;
	v7 =	vld [tilespmem:s9+$0x6200]  }
0x13b: {  	v5 =	vld [tilespmem:s0+$0x4800]  }
.Ltmp0:
0x13c: {  	v6 =	vadd.f32 v6, v0;
	v1 =	vadd.f32 v4, v1;
	v0 =	vld [tilespmem:s9+$0x6400];
	(pc) =	sbr.rel @p0 .LBB2_2-.Ltmp0, $4  }
0x13d: {  	v3 =	vld [tilespmem:s0+$0x4A00]  }
0x13e: {  	v6 =	vadd.f32 v8, v6;
	v8 =	vadd.f32 v2, v1;
	v1 =	vld [tilespmem:s9+$0x6600]  }
0x13f: {  	v4 =	vld [tilespmem:s0+$0x4C00]  }
0x140: {  	s10 =	sshra.s32 s12, $0x2;
	s12 =	sadd.s32 $0x40, s12;
	v5 =	vadd.f32 v5, v6;
	v2 =	vld [tilespmem:s0+$0x4E00];
	v6 =	vadd.f32 v7, v8  }
0x141: {  	v7 =	vld [tilespmem:s10+$0x3400]  }
0x142: {  	v8 =	vld [tilespmem:s0+$0x5000];
	v0 =	vadd.f32 v0, v6  }
0x143: {  	v29 =	vld [tilespmem:s10+$0x3600]  }
0x144: {  	v9 =	vld [tilespmem:s0+$0x5200];
	v3 =	vadd.f32 v3, v5;
	v0 =	vadd.f32 v1, v0  }
0x145: {  	v30 =	vld [tilespmem:s10+$0x3800]  }
0x146: {  	v31 =	vld [tilespmem:s0+$0x5400];
	v3 =	vadd.f32 v4, v3;
	v32 =	vadd.f32 $0.0e+00, v7;
	[tilespmem:s9+$0x6800] =	vst v0  }
0x147: {  	v0 =	vld [tilespmem:s10+$0x3A00]  }
0x148: {  	v2 =	vadd.f32 v2, v3;
	v33 =	vadd.f32 v29, v32  }
0x149: {  	v34 =	vld [tilespmem:s10+$0x3C00]  }
0x14a: {  	v35 =	vld [tilespmem:s0+$0x5600];
	v2 =	vadd.f32 v8, v2;
	v1 =	vadd.f32 v30, v33  }
0x14b: {  	v36 =	vld [tilespmem:s10+$0x3E00]  }
0x14c: {  	v37 =	vld [tilespmem:s0+$0x5800];
	v2 =	vadd.f32 v9, v2;
	v0 =	vadd.f32 v0, v1  }
0x14d: {  	v38 =	vld [tilespmem:s10+$0x4000]  }
0x14e: {  	v39 =	vld [tilespmem:s0+$0x5A00];
	v2 =	vadd.f32 v31, v2;
	v0 =	vadd.f32 v34, v0  }
0x14f: {  	v40 =	vld [tilespmem:s10+$0x4200]  }
0x150: {  	v41 =	vld [tilespmem:s0+$0x5C00];
	v2 =	vadd.f32 v35, v2;
	v0 =	vadd.f32 v36, v0  }
0x151: {  	v42 =	vld [tilespmem:s10+$0x4400]  }
0x152: {  	v43 =	vld [tilespmem:s0+$0x5E00];
	v2 =	vadd.f32 v37, v2;
	v0 =	vadd.f32 v38, v0  }
0x153: {  	v44 =	vld [tilespmem:s10+$0x4600]  }
0x154: {  	v45 =	vld [tilespmem:s0+$0x6000];
	v2 =	vadd.f32 v39, v2;
	v0 =	vadd.f32 v40, v0  }
0x155: {  	v46 =	vld [tilespmem:s10+$0x4800]  }
0x156: {  	v47 =	vld [tilespmem:s0+$0x6200];
	v2 =	vadd.f32 v41, v2;
	v0 =	vadd.f32 v42, v0  }
0x157: {  	v48 =	vld [tilespmem:s10+$0x4A00]  }
0x158: {  	v49 =	vld [tilespmem:s0+$0x6400];
	v2 =	vadd.f32 v43, v2;
	v0 =	vadd.f32 v44, v0  }
0x159: {  	v50 =	vld [tilespmem:s10+$0x4C00]  }
0x15a: {  	v51 =	vld [tilespmem:s0+$0x6600];
	v2 =	vadd.f32 v45, v2;
	v0 =	vadd.f32 v46, v0  }
0x15b: {  	v52 =	vld [tilespmem:s10+$0x4E00]  }
0x15c: {  	v2 =	vadd.f32 v47, v2;
	v0 =	vadd.f32 v48, v0  }
0x15d: {  	v53 =	vld [tilespmem:s10+$0x5000]  }
0x15e: {  	v2 =	vadd.f32 v49, v2;
	v0 =	vadd.f32 v50, v0  }
0x15f: {  	v54 =	vld [tilespmem:s10+$0x5200]  }
0x160: {  	v2 =	vadd.f32 v51, v2;
	v0 =	vadd.f32 v52, v0  }
0x161: {  	v55 =	vld [tilespmem:s10+$0x5400]  }
0x162: {  	[tilespmem:s0+$0x6800] =	vst v2;
	v0 =	vadd.f32 v53, v0  }
0x163: {  	v2 =	vld [tilespmem:s10+$0x5600]  }
0x164: {  	v0 =	vadd.f32 v54, v0  }
0x165: {  	v56 =	vld [tilespmem:s10+$0x5800]  }
0x166: {  	v0 =	vadd.f32 v55, v0  }
0x167: {  	v57 =	vld [tilespmem:s10+$0x5A00]  }
0x168: {  	v0 =	vadd.f32 v2, v0  }
0x169: {  	v58 =	vld [tilespmem:s10+$0x5C00]  }
0x16a: {  	v0 =	vadd.f32 v56, v0  }
0x16b: {  	v59 =	vld [tilespmem:s10+$0x5E00]  }
0x16c: {  	v0 =	vadd.f32 v57, v0  }
0x16d: {  	v60 =	vld [tilespmem:s10+$0x6000]  }
0x16e: {  	v0 =	vadd.f32 v58, v0  }
0x16f: {  	v61 =	vld [tilespmem:s10+$0x6200]  }
0x170: {  	v0 =	vadd.f32 v59, v0  }
0x171: {  	v62 =	vld [tilespmem:s10+$0x6400]  }
0x172: {  	v0 =	vadd.f32 v60, v0  }
0x173: {  	v63 =	vld [tilespmem:s10+$0x6600]  }
0x174: {  	v0 =	vadd.f32 v61, v0;
	_ =	sdelay $0x1  }
0x175: {  	v0 =	vadd.f32 v62, v0;
	_ =	sdelay $0x1  }
0x176: {  	s1 =	sadd.s32 $0x1, s1;
	v0 =	vadd.f32 v63, v0  }
0x177: {  	p0 =	sne.s32 s1, s6  }
.Ltmp1:
0x178: {  	[tilespmem:s10+$0x6800] =	vst v0;
	(pc) =	sbr.rel @p0 .LBB2_1-.Ltmp1, $4  }
0x179: {  	[hbm4b:s5+s2] =	stream.linear.scatter [tilespmem:s31], [sflag:$0x2], $0x200, $0x38;
	[tilespmem:$0x6A00] =	vst v63  }
0x17a: {  	_ =	swait.ge [sflag:s7], $0x200  }
0x17b: {  	[sflag:s7] =	ssyncset.done $0x0  }
0x17c: {  	[sflag:s7] =	ssyncadd.s32 $0xFFFFFE00  }
0x17d: {  	_ =	sfence.sel $0x180000  }
0x17e: {  	[bflag:$0x0] =	sbarrier.arrive $0xFFFF  }
0x17f: {  	_ =	strace $0x9000004A  }
0x180: {  	s0 =	stileid.u32;
	[bflag:$0x2] =	sbarrier.arrive $0xFFFF  }
0x181: {  	p0 =	sne.s32 s0, $0x0;
	s0 =	rddreg [dreg:$0x2]  }
0x182: {  	s0 =	sadd.s32 @!p0 $0x100000, s0  }
0x183: {  	[sflag:s0] =	ssyncadd.tile.s32 @!p0 $0x1;
	_ =	shalt  }
.Lfunc_end2:
_tile_overlayer_lowered:
.L_overlay_start_2:
0x184: {  	(tag) =	ssettag $0x2  }
0x185: {  	s0 =	rddreg [dreg:$0x0];
	s2 =	stileid.u32  }
0x186: {  	s1 =	rddreg [dreg:$0x1];
	p0 =	sne.s32 s2, $0x0  }
0x187: {  	s3 =	rddreg [dreg:$0x2];
	[bflag:$0x3] =	sbarrier.arrive $0xFFFF;
	s2 =	simm.s32 @!p0 $0x1C02  }
0x188: {  	[timem:s3], [sflag:s2] =	dma.local @!p0 [hbm:s0], s1  }
0x189: {  	s0 =	simm.s32 @!p0 $0x2  }
0x18a: {  	_ =	swait.ge @!p0 [sflag:s0], s1  }
0x18b: {  	s1 =	ssub.s32 @!p0 $0x0, s1;
	[sflag:s0] =	ssyncset.done @!p0 $0x0  }
0x18c: {  	[sflag:s0] =	ssyncadd.s32 @!p0 s1  }
0x18d: {  	[bflag:$0x3] =	sbarrier.arrive $0xFFFF  }
0x18e: {  	_ =	shalt  }

</sc_bundles>
